<compile_context>
chip_gen: v7x
topology: tpu7x:2x2x1
jax: 0.10.2.dev20260603
libtpu: 0.0.44.dev20260713+nightly
codegen_flags: <defaults>
</compile_context>

<pallas_src>
import functools

import jax
import jax.numpy as jnp
from jax import lax
from jax.experimental import pallas as pl
from jax.experimental.pallas import tpu as pltpu
from jax.experimental.pallas import tpu_sc as plsc

N_FULL_EDGES = 6400000
N_CAND = 2000000
N_SEG = 16384
N_SAMPLED = 262144

NC = 2
NS = 16
W = NC * NS
L = 16

BLK = 8192
NBLK = 8
CH = NBLK * BLK
T_FULL = (N_CAND - 30 * CH) // BLK
T_BASE = 30 * CH + T_FULL * BLK
T_LEN = N_CAND - T_BASE
SEG_PER_TILE = N_SEG // W
OUT_PER_TILE = N_SAMPLED // W

_mesh = plsc.VectorSubcoreMesh(
    core_axis_name="c", subcore_axis_name="s", num_cores=NC, num_subcores=NS
)
_params = pltpu.CompilerParams(needs_layout_passes=False)


def _wid():
    return lax.axis_index("c") * NS + lax.axis_index("s")


@functools.partial(
    pl.kernel,
    out_type=(
        jax.ShapeDtypeStruct((W, N_SEG), jnp.float32),
        jax.ShapeDtypeStruct((N_CAND,), jnp.float32),
    ),
    mesh=_mesh,
    compiler_params=_params,
    scratch_types=[
        [pltpu.VMEM((BLK,), jnp.int32)] * 2,
        [pltpu.VMEM((BLK,), jnp.float32)] * 2,
        [pltpu.VMEM((BLK,), jnp.int32)] * 2,
        [pltpu.VMEM((BLK,), jnp.float32)] * 2,
        [pltpu.VMEM((BLK,), jnp.float32)] * 2,
        pltpu.VMEM((N_SEG + L,), jnp.float32),
        [pltpu.SemaphoreType.DMA] * 2,
        [pltpu.SemaphoreType.DMA] * 2,
        [pltpu.SemaphoreType.DMA] * 2,
        [pltpu.SemaphoreType.DMA] * 2,
    ],
)
def _phase1(eid_hbm, u_hbm, seg_hbm, table, partials, e_hbm,
            eid_v, u_v, seg_v, lg_v, e_v, acc, sem_eid, sem_us, sem_g, sem_w):
    wid = _wid()
    nb = jnp.where(wid < 30, NBLK, jnp.where(wid == 30, T_FULL, 0))

    def sl_h(b):
        return pl.ds(pl.multiple_of(wid * CH + b * BLK, BLK), BLK)

    def load3(b):
        p = b % 2
        pltpu.async_copy(eid_hbm.at[sl_h(b)], eid_v[p], sem_eid[p])
        pltpu.async_copy(u_hbm.at[sl_h(b)], u_v[p], sem_us[p])
        pltpu.async_copy(seg_hbm.at[sl_h(b)], seg_v[p], sem_us[p])

    def wait(src, dst, sem):
        pltpu.make_async_copy(src, dst, sem).wait()

    @pl.loop(0, N_SEG // L + 1)
    def _zero(i):
        acc[pl.ds(i * L, L)] = jnp.zeros((L,), jnp.float32)

    for b in range(2):
        @pl.when(b < nb)
        def _(b=b):
            load3(b)
    for b in range(NBLK):
        p = b % 2

        @pl.when(b < nb)
        def _(b=b, p=p):
            if b == 0:
                wait(eid_hbm.at[sl_h(0)], eid_v[0], sem_eid[0])
                pltpu.async_copy(table.at[eid_v[0]], lg_v[0], sem_g[0])

        if b + 1 < NBLK:
            @pl.when(b + 1 < nb)
            def _(b=b):
                q = (b + 1) % 2
                wait(eid_hbm.at[sl_h(b + 1)], eid_v[q], sem_eid[q])
                pltpu.async_copy(table.at[eid_v[q]], lg_v[q], sem_g[q])

        @pl.when(b < nb)
        def _(b=b, p=p):
            wait(u_hbm.at[sl_h(b)], lg_v[p], sem_g[p])
            wait(u_hbm.at[sl_h(b)], u_v[p], sem_us[p])
            wait(seg_hbm.at[sl_h(b)], seg_v[p], sem_us[p])
            if b >= 2:
                wait(e_hbm.at[sl_h(b - 2)], e_v[p], sem_w[p])

            @functools.partial(plsc.parallel_loop, 0, BLK // L, unroll=4)
            def _compute(i):
                sl = pl.ds(i * L, L)
                e16 = jnp.exp(lg_v[p][sl] + u_v[p][sl])
                e_v[p][sl] = e16
                plsc.addupdate_scatter(acc, [seg_v[p][sl]], e16)

            pltpu.async_copy(e_v[p], e_hbm.at[sl_h(b)], sem_w[p])

        if b + 2 < NBLK:
            @pl.when(b + 2 < nb)
            def _(b=b):
                load3(b + 2)

    for b in range(NBLK):
        @pl.when((b + 2 >= nb) & (b < nb))
        def _(b=b):
            wait(e_hbm.at[sl_h(b)], e_v[b % 2], sem_w[b % 2])

    @pl.when(wid == 30)
    def _tail():
        sl_t = pl.ds(T_BASE, T_LEN)
        sl_v = pl.ds(0, T_LEN)
        pltpu.sync_copy(eid_hbm.at[sl_t], eid_v[0].at[sl_v])
        pltpu.async_copy(table.at[eid_v[0].at[sl_v]], lg_v[0].at[sl_v],
                         sem_g[0])
        pltpu.sync_copy(u_hbm.at[sl_t], u_v[0].at[sl_v])
        pltpu.sync_copy(seg_hbm.at[sl_t], seg_v[0].at[sl_v])
        pltpu.make_async_copy(u_hbm.at[sl_t], lg_v[0].at[sl_v],
                              sem_g[0]).wait()

        @functools.partial(plsc.parallel_loop, 0, T_LEN // L, unroll=4)
        def _compute(i):
            sl = pl.ds(i * L, L)
            e16 = jnp.exp(lg_v[0][sl] + u_v[0][sl])
            e_v[0][sl] = e16
            plsc.addupdate_scatter(acc, [seg_v[0][sl]], e16)

        pltpu.sync_copy(e_v[0].at[sl_v], e_hbm.at[sl_t])

    pltpu.sync_copy(acc.at[pl.ds(0, N_SEG)], partials.at[wid])


@functools.partial(
    pl.kernel,
    out_type=jax.ShapeDtypeStruct((N_SEG,), jnp.float32),
    mesh=_mesh,
    compiler_params=_params,
    scratch_types=[
        pltpu.VMEM((W, SEG_PER_TILE), jnp.float32),
        pltpu.VMEM((SEG_PER_TILE,), jnp.float32),
        pltpu.SemaphoreType.DMA,
    ],
)
def _phase2(partials, rcp, buf, out_v, sem):
    wid = _wid()
    col0 = pl.multiple_of(wid * SEG_PER_TILE, SEG_PER_TILE)

    @pl.loop(0, W)
    def _load(r):
        pltpu.async_copy(partials.at[r, pl.ds(col0, SEG_PER_TILE)], buf.at[r], sem)

    @pl.loop(0, W)
    def _drain(r):
        pltpu.make_async_copy(
            partials.at[r, pl.ds(col0, SEG_PER_TILE)], buf.at[r], sem
        ).wait()

    @pl.loop(0, SEG_PER_TILE // L)
    def _reduce(i):
        def body(r, v):
            return v + buf[r, pl.ds(i * L, L)]
        v = lax.fori_loop(0, W, body, jnp.zeros((L,), jnp.float32))
        out_v[pl.ds(i * L, L)] = 1.0 / v

    pltpu.sync_copy(out_v, rcp.at[pl.ds(col0, SEG_PER_TILE)])


@functools.partial(
    pl.kernel,
    out_type=jax.ShapeDtypeStruct((N_SAMPLED,), jnp.float32),
    mesh=_mesh,
    compiler_params=_params,
    scratch_types=[
        pltpu.VMEM((N_SEG,), jnp.float32),
        pltpu.VMEM((OUT_PER_TILE,), jnp.int32),
        pltpu.VMEM((OUT_PER_TILE,), jnp.float32),
        pltpu.VMEM((OUT_PER_TILE,), jnp.int32),
        pltpu.VMEM((OUT_PER_TILE,), jnp.float32),
        pltpu.SemaphoreType.DMA,
        pltpu.SemaphoreType.DMA,
    ],
)
def _phase3(e_hbm, seg_hbm, ca_hbm, rcp_hbm, out_hbm,
            rcp_v, ca_v, e_g, seg_g, out_v, sem_e, sem_s):
    wid = _wid()
    base = pl.multiple_of(wid * OUT_PER_TILE, OUT_PER_TILE)
    sl_h = pl.ds(base, OUT_PER_TILE)
    pltpu.sync_copy(ca_hbm.at[sl_h], ca_v)
    pltpu.async_copy(e_hbm.at[ca_v], e_g, sem_e)
    pltpu.async_copy(seg_hbm.at[ca_v], seg_g, sem_s)
    pltpu.sync_copy(rcp_hbm, rcp_v)
    pltpu.make_async_copy(rcp_hbm.at[pl.ds(0, OUT_PER_TILE)], e_g, sem_e).wait()
    pltpu.make_async_copy(rcp_hbm.at[pl.ds(0, OUT_PER_TILE)], seg_g, sem_s).wait()

    @pl.loop(0, OUT_PER_TILE // L)
    def _compute(i):
        sl = pl.ds(i * L, L)
        r16 = plsc.load_gather(rcp_v, [seg_g[sl]])
        y = e_g[sl] * r16
        out_v[sl] = (1.0 - y) + y

    pltpu.sync_copy(out_v, out_hbm.at[sl_h])


def kernel(edges_logits, loglog_u, edge_id, segment_ids, ca_idx):
    partials, e_scr = _phase1(edge_id, loglog_u, segment_ids, edges_logits)
    rcp = _phase2(partials)
    return _phase3(e_scr, segment_ids, ca_idx, rcp)

# --- scband reference (transcript-rebuilt; emitter-appended) ---
"""Pipeline reference for scband-sampler-29042568855561 (READ-ONLY COPY).

The authoritative reference and input builder live on the scoring server;
editing this copy changes nothing except your own understanding.
"""

import jax, jax.numpy as jnp
import numpy as np

N_FULL_EDGES = 6400000
N_CAND = 2000000
N_SEG = 16384
N_SAMPLED = 262144


def setup_inputs(seed: int = 0) -> dict:
    key = jax.random.key(seed)
    k1, k2, k3, k4, k5 = jax.random.split(key, 5)
    # learned parameter: per-edge logits table (initialized like log-prob init, here random)
    edges_logits = jax.random.normal(k1, (N_FULL_EDGES,), dtype=jnp.float32) * 0.1
    edge_id = jax.random.randint(k2, (N_CAND,), 0, N_FULL_EDGES, dtype=jnp.int32)
    loglog_u = jax.random.normal(k3, (N_CAND,), dtype=jnp.float32)  # gumbel-ish noise
    segment_ids = jnp.sort(jax.random.randint(k4, (N_CAND,), 0, N_SEG, dtype=jnp.int32))
    ca_idx = jax.random.randint(k5, (N_SAMPLED,), 0, N_CAND, dtype=jnp.int32)
    return {
        "edges_logits": edges_logits,
        "loglog_u": loglog_u,
        "edge_id": edge_id,
        "segment_ids": segment_ids,
        "ca_idx": ca_idx,
    }


def _sparse_softmax(logits, segment_ids, num_segments):
    # sorted-segment softmax, faithful to tf.math.segment_max/segment_sum path
    logits_max = jax.ops.segment_max(logits, segment_ids, num_segments=num_segments)
    logits_max_g = jnp.take(logits_max, segment_ids, axis=0)
    logits_exp = jnp.exp(logits - logits_max_g)
    logits_expsum = jax.ops.segment_sum(logits_exp, segment_ids, num_segments=num_segments)
    logits_expsum_g = jnp.take(logits_expsum, segment_ids, axis=0)
    return logits_exp / logits_expsum_g


def reference(edges_logits, loglog_u, edge_id, segment_ids, ca_idx):
    temperature = 1.0
    # gather per-candidate logits from the big edge-logit table
    logits = jnp.take(edges_logits, edge_id, axis=0)
    y = logits + loglog_u
    y = _sparse_softmax(y / temperature, segment_ids, N_SEG)
    y = jnp.take(y, ca_idx, axis=0)
    # hard straight-through: y_hard = 1, y = stop_grad(y_hard - y) + y
    y_hard = jnp.ones_like(y)
    y = jax.lax.stop_gradient(y_hard - y) + y
    return y

if __name__ == "__main__":
    import jax
    _d = setup_inputs()
    print(jax.jit(kernel)(*tuple(_d.values())))

</pallas_src>

<mosaic_0001>
#map = affine_map<(d0, d1) -> (0)>
#map1 = affine_map<(d0, d1) -> (0, 0)>
module attributes {stable_mosaic.version = 14 : i64} {
  func.func @_phase1(%arg0: i32, %arg1: i32, %arg2: memref<2000000xi32, #tpu.memory_space<hbm>>, %arg3: memref<2000000xf32, #tpu.memory_space<hbm>>, %arg4: memref<2000000xi32, #tpu.memory_space<hbm>>, %arg5: memref<6400000xf32, #tpu.memory_space<hbm>>, %arg6: memref<32x16384xf32, #tpu.memory_space<hbm>>, %arg7: memref<2000000xf32, #tpu.memory_space<hbm>>, %arg8: memref<8192xi32, #tpu.memory_space<vmem>>, %arg9: memref<8192xi32, #tpu.memory_space<vmem>>, %arg10: memref<8192xf32, #tpu.memory_space<vmem>>, %arg11: memref<8192xf32, #tpu.memory_space<vmem>>, %arg12: memref<8192xi32, #tpu.memory_space<vmem>>, %arg13: memref<8192xi32, #tpu.memory_space<vmem>>, %arg14: memref<8192xf32, #tpu.memory_space<vmem>>, %arg15: memref<8192xf32, #tpu.memory_space<vmem>>, %arg16: memref<8192xf32, #tpu.memory_space<vmem>>, %arg17: memref<8192xf32, #tpu.memory_space<vmem>>, %arg18: memref<16400xf32, #tpu.memory_space<vmem>>, %arg19: memref<!tpu.dma_semaphore, #tpu.memory_space<semaphore_mem>>, %arg20: memref<!tpu.dma_semaphore, #tpu.memory_space<semaphore_mem>>, %arg21: memref<!tpu.dma_semaphore, #tpu.memory_space<semaphore_mem>>, %arg22: memref<!tpu.dma_semaphore, #tpu.memory_space<semaphore_mem>>, %arg23: memref<!tpu.dma_semaphore, #tpu.memory_space<semaphore_mem>>, %arg24: memref<!tpu.dma_semaphore, #tpu.memory_space<semaphore_mem>>, %arg25: memref<!tpu.dma_semaphore, #tpu.memory_space<semaphore_mem>>, %arg26: memref<!tpu.dma_semaphore, #tpu.memory_space<semaphore_mem>>) attributes {dimension_semantics = [#tpu.dimension_semantics<core_parallel>, #tpu.dimension_semantics<subcore_parallel>], iteration_bounds = array<i64: 2, 16>, scalar_prefetch = 0 : i64, scratch_operands = 19 : i64, tpu.core_type = #tpu.core_type<sc_vector_subcore>, window_params = [{transform_indices = #map}, {transform_indices = #map}, {transform_indices = #map}, {transform_indices = #map}, {transform_indices = #map1}, {transform_indices = #map}]} {
    %mul3A = arith.constant 16 : i32
    %mul3A_0 = arith.muli %arg0, %mul3A : i32
    %add3A = arith.addi %mul3A_0, %arg1 : i32
    %lt3A = arith.constant 30 : i32
    %lt3A_1 = arith.cmpi slt, %add3A, %lt3A : i32
    %eq3A = arith.constant 30 : i32
    %eq3A_2 = arith.cmpi eq, %add3A, %eq3A : i32
    %jit3A = arith.constant 4 : i32
    %jit3A_3 = arith.constant 0 : i32
    %select_n3A = arith.select %eq3A_2, %jit3A, %jit3A_3 : i32
    %jit3A_4 = arith.constant 8 : i32
    %select_n3A_5 = arith.select %lt3A_1, %jit3A_4, %select_n3A : i32
    %scan3A = arith.constant 0 : i32
    %scan3A_6 = arith.constant 1025 : i32
    %scan3A_7 = arith.addi %scan3A, %scan3A_6 : i32
    %scan3A_8 = arith.constant 1 : i32
    scf.for %scan3A_229 = %scan3A to %scan3A_7 step %scan3A_8  : i32 {
      %mul3A_230 = arith.constant 1 : i32
      %mul3A_231 = arith.muli %scan3A_229, %mul3A_230 : i32
      %add3A_232 = arith.constant 0 : i32
      %add3A_233 = arith.addi %add3A_232, %mul3A_231 : i32
      %broadcast_in_dim3A = arith.constant 0.000000e+00 : f32
      %broadcast_in_dim3A_234 = vector.broadcast %broadcast_in_dim3A : f32 to vector<16xf32>
      %mul3A_235 = arith.constant 16 : i32
      %mul3A_236 = arith.muli %add3A_233, %mul3A_235 : i32
      %swap3A = arith.index_cast %mul3A_236 : i32 to index
      %swap3A_237 = tpu.vector_load %arg18[%swap3A] {strides = array<i32>} : memref<16400xf32, #tpu.memory_space<vmem>>, vector<16xf32>,
      tpu.vector_store %arg18[%swap3A], %broadcast_in_dim3A_234 {strides = array<i32>} : memref<16400xf32, #tpu.memory_space<vmem>>, vector<16xf32>,
    }
    %scan3A_9 = arith.constant 1025 : i32
    %gt3A = arith.constant 0 : i32
    %gt3A_10 = arith.cmpi sgt, %select_n3A_5, %gt3A : i32
    %convert_element_type3A = arith.extui %gt3A_10 : i1 to i32
    %cond3A = arith.constant 0 : i32
    %cond3A_11 = arith.cmpi ne, %convert_element_type3A, %cond3A : i32
    scf.if %cond3A_11 {
      %mul3A_229 = arith.constant 65536 : i32
      %mul3A_230 = arith.muli %add3A, %mul3A_229 : i32
      %add3A_231 = arith.constant 0 : i32
      %add3A_232 = arith.addi %mul3A_230, %add3A_231 : i32
      %multiple_of3A = tpu.assume_multiple %add3A_232, 8192 : i32
      %dma_start3A = tpu.memref_slice %arg2[%multiple_of3A] : memref<2000000xi32, #tpu.memory_space<hbm>> -> memref<8192xi32, #tpu.memory_space<hbm>>
      %dma_start3A_233 = tpu.memref_slice %arg2[%multiple_of3A] : memref<2000000xi32, #tpu.memory_space<hbm>> -> memref<8192xi32, #tpu.memory_space<hbm>>
      tpu.enqueue_dma source(%dma_start3A_233 : memref<8192xi32, #tpu.memory_space<hbm>>) target(%arg8 : memref<8192xi32, #tpu.memory_space<vmem>>) target_semaphore(%arg19 : memref<!tpu.dma_semaphore, #tpu.memory_space<semaphore_mem>>)
      %mul3A_234 = arith.constant 65536 : i32
      %mul3A_235 = arith.muli %add3A, %mul3A_234 : i32
      %add3A_236 = arith.constant 0 : i32
      %add3A_237 = arith.addi %mul3A_235, %add3A_236 : i32
      %multiple_of3A_238 = tpu.assume_multiple %add3A_237, 8192 : i32
      %dma_start3A_239 = tpu.memref_slice %arg3[%multiple_of3A_238] : memref<2000000xf32, #tpu.memory_space<hbm>> -> memref<8192xf32, #tpu.memory_space<hbm>>
      %dma_start3A_240 = tpu.memref_slice %arg3[%multiple_of3A_238] : memref<2000000xf32, #tpu.memory_space<hbm>> -> memref<8192xf32, #tpu.memory_space<hbm>>
      tpu.enqueue_dma source(%dma_start3A_240 : memref<8192xf32, #tpu.memory_space<hbm>>) target(%arg10 : memref<8192xf32, #tpu.memory_space<vmem>>) target_semaphore(%arg21 : memref<!tpu.dma_semaphore, #tpu.memory_space<semaphore_mem>>)
      %mul3A_241 = arith.constant 65536 : i32
      %mul3A_242 = arith.muli %add3A, %mul3A_241 : i32
      %add3A_243 = arith.constant 0 : i32
      %add3A_244 = arith.addi %mul3A_242, %add3A_243 : i32
      %multiple_of3A_245 = tpu.assume_multiple %add3A_244, 8192 : i32
      %dma_start3A_246 = tpu.memref_slice %arg4[%multiple_of3A_245] : memref<2000000xi32, #tpu.memory_space<hbm>> -> memref<8192xi32, #tpu.memory_space<hbm>>
      %dma_start3A_247 = tpu.memref_slice %arg4[%multiple_of3A_245] : memref<2000000xi32, #tpu.memory_space<hbm>> -> memref<8192xi32, #tpu.memory_space<hbm>>
      tpu.enqueue_dma source(%dma_start3A_247 : memref<8192xi32, #tpu.memory_space<hbm>>) target(%arg12 : memref<8192xi32, #tpu.memory_space<vmem>>) target_semaphore(%arg21 : memref<!tpu.dma_semaphore, #tpu.memory_space<semaphore_mem>>)
    } else {
    }
    %gt3A_12 = arith.constant 1 : i32
    %gt3A_13 = arith.cmpi sgt, %select_n3A_5, %gt3A_12 : i32
    %convert_element_type3A_14 = arith.extui %gt3A_13 : i1 to i32
    %cond3A_15 = arith.constant 0 : i32
    %cond3A_16 = arith.cmpi ne, %convert_element_type3A_14, %cond3A_15 : i32
    scf.if %cond3A_16 {
      %mul3A_229 = arith.constant 65536 : i32
      %mul3A_230 = arith.muli %add3A, %mul3A_229 : i32
      %add3A_231 = arith.constant 8192 : i32
      %add3A_232 = arith.addi %mul3A_230, %add3A_231 : i32
      %multiple_of3A = tpu.assume_multiple %add3A_232, 8192 : i32
      %dma_start3A = tpu.memref_slice %arg2[%multiple_of3A] : memref<2000000xi32, #tpu.memory_space<hbm>> -> memref<8192xi32, #tpu.memory_space<hbm>>
      %dma_start3A_233 = tpu.memref_slice %arg2[%multiple_of3A] : memref<2000000xi32, #tpu.memory_space<hbm>> -> memref<8192xi32, #tpu.memory_space<hbm>>
      tpu.enqueue_dma source(%dma_start3A_233 : memref<8192xi32, #tpu.memory_space<hbm>>) target(%arg9 : memref<8192xi32, #tpu.memory_space<vmem>>) target_semaphore(%arg20 : memref<!tpu.dma_semaphore, #tpu.memory_space<semaphore_mem>>)
      %mul3A_234 = arith.constant 65536 : i32
      %mul3A_235 = arith.muli %add3A, %mul3A_234 : i32
      %add3A_236 = arith.constant 8192 : i32
      %add3A_237 = arith.addi %mul3A_235, %add3A_236 : i32
      %multiple_of3A_238 = tpu.assume_multiple %add3A_237, 8192 : i32
      %dma_start3A_239 = tpu.memref_slice %arg3[%multiple_of3A_238] : memref<2000000xf32, #tpu.memory_space<hbm>> -> memref<8192xf32, #tpu.memory_space<hbm>>
      %dma_start3A_240 = tpu.memref_slice %arg3[%multiple_of3A_238] : memref<2000000xf32, #tpu.memory_space<hbm>> -> memref<8192xf32, #tpu.memory_space<hbm>>
      tpu.enqueue_dma source(%dma_start3A_240 : memref<8192xf32, #tpu.memory_space<hbm>>) target(%arg11 : memref<8192xf32, #tpu.memory_space<vmem>>) target_semaphore(%arg22 : memref<!tpu.dma_semaphore, #tpu.memory_space<semaphore_mem>>)
      %mul3A_241 = arith.constant 65536 : i32
      %mul3A_242 = arith.muli %add3A, %mul3A_241 : i32
      %add3A_243 = arith.constant 8192 : i32
      %add3A_244 = arith.addi %mul3A_242, %add3A_243 : i32
      %multiple_of3A_245 = tpu.assume_multiple %add3A_244, 8192 : i32
      %dma_start3A_246 = tpu.memref_slice %arg4[%multiple_of3A_245] : memref<2000000xi32, #tpu.memory_space<hbm>> -> memref<8192xi32, #tpu.memory_space<hbm>>
      %dma_start3A_247 = tpu.memref_slice %arg4[%multiple_of3A_245] : memref<2000000xi32, #tpu.memory_space<hbm>> -> memref<8192xi32, #tpu.memory_space<hbm>>
      tpu.enqueue_dma source(%dma_start3A_247 : memref<8192xi32, #tpu.memory_space<hbm>>) target(%arg13 : memref<8192xi32, #tpu.memory_space<vmem>>) target_semaphore(%arg22 : memref<!tpu.dma_semaphore, #tpu.memory_space<semaphore_mem>>)
    } else {
    }
    %gt3A_17 = arith.constant 0 : i32
    %gt3A_18 = arith.cmpi sgt, %select_n3A_5, %gt3A_17 : i32
    %convert_element_type3A_19 = arith.extui %gt3A_18 : i1 to i32
    %cond3A_20 = arith.constant 0 : i32
    %cond3A_21 = arith.cmpi ne, %convert_element_type3A_19, %cond3A_20 : i32
    scf.if %cond3A_21 {
      %mul3A_229 = arith.constant 65536 : i32
      %mul3A_230 = arith.muli %add3A, %mul3A_229 : i32
      %add3A_231 = arith.constant 0 : i32
      %add3A_232 = arith.addi %mul3A_230, %add3A_231 : i32
      %multiple_of3A = tpu.assume_multiple %add3A_232, 8192 : i32
      %dma_wait3A = tpu.memref_slice %arg2[%multiple_of3A] : memref<2000000xi32, #tpu.memory_space<hbm>> -> memref<8192xi32, #tpu.memory_space<hbm>>
      %dma_wait3A_233 = tpu.memref_slice %arg2[%multiple_of3A] : memref<2000000xi32, #tpu.memory_space<hbm>> -> memref<8192xi32, #tpu.memory_space<hbm>>
      tpu.wait_dma2 semaphore(%arg19 : memref<!tpu.dma_semaphore, #tpu.memory_space<semaphore_mem>>) src(%dma_wait3A_233 : memref<8192xi32, #tpu.memory_space<hbm>>) dst(%arg8 : memref<8192xi32, #tpu.memory_space<vmem>>)
      %dma_start3A = arith.constant 0 : i32
      %dma_start3A_234 = tpu.memref_slice %arg5[%dma_start3A] : memref<6400000xf32, #tpu.memory_space<hbm>> -> memref<6400000xf32, #tpu.memory_space<hbm>>
      tpu.enqueue_indirect_dma source(%dma_start3A_234 : memref<6400000xf32, #tpu.memory_space<hbm>>) target(%arg14 : memref<8192xf32, #tpu.memory_space<vmem>>) offsets(%arg8 : memref<8192xi32, #tpu.memory_space<vmem>>) semaphore(%arg23 : memref<!tpu.dma_semaphore, #tpu.memory_space<semaphore_mem>>)
    } else {
    }
    %gt3A_22 = arith.constant 1 : i32
    %gt3A_23 = arith.cmpi sgt, %select_n3A_5, %gt3A_22 : i32
    %convert_element_type3A_24 = arith.extui %gt3A_23 : i1 to i32
    %cond3A_25 = arith.constant 0 : i32
    %cond3A_26 = arith.cmpi ne, %convert_element_type3A_24, %cond3A_25 : i32
    scf.if %cond3A_26 {
      %mul3A_229 = arith.constant 65536 : i32
      %mul3A_230 = arith.muli %add3A, %mul3A_229 : i32
      %add3A_231 = arith.constant 8192 : i32
      %add3A_232 = arith.addi %mul3A_230, %add3A_231 : i32
      %multiple_of3A = tpu.assume_multiple %add3A_232, 8192 : i32
      %dma_wait3A = tpu.memref_slice %arg2[%multiple_of3A] : memref<2000000xi32, #tpu.memory_space<hbm>> -> memref<8192xi32, #tpu.memory_space<hbm>>
      %dma_wait3A_233 = tpu.memref_slice %arg2[%multiple_of3A] : memref<2000000xi32, #tpu.memory_space<hbm>> -> memref<8192xi32, #tpu.memory_space<hbm>>
      tpu.wait_dma2 semaphore(%arg20 : memref<!tpu.dma_semaphore, #tpu.memory_space<semaphore_mem>>) src(%dma_wait3A_233 : memref<8192xi32, #tpu.memory_space<hbm>>) dst(%arg9 : memref<8192xi32, #tpu.memory_space<vmem>>)
      %dma_start3A = arith.constant 0 : i32
      %dma_start3A_234 = tpu.memref_slice %arg5[%dma_start3A] : memref<6400000xf32, #tpu.memory_space<hbm>> -> memref<6400000xf32, #tpu.memory_space<hbm>>
      tpu.enqueue_indirect_dma source(%dma_start3A_234 : memref<6400000xf32, #tpu.memory_space<hbm>>) target(%arg15 : memref<8192xf32, #tpu.memory_space<vmem>>) offsets(%arg9 : memref<8192xi32, #tpu.memory_space<vmem>>) semaphore(%arg24 : memref<!tpu.dma_semaphore, #tpu.memory_space<semaphore_mem>>)
    } else {
    }
    %gt3A_27 = arith.constant 0 : i32
    %gt3A_28 = arith.cmpi sgt, %select_n3A_5, %gt3A_27 : i32
    %convert_element_type3A_29 = arith.extui %gt3A_28 : i1 to i32
    %cond3A_30 = arith.constant 0 : i32
    %cond3A_31 = arith.cmpi ne, %convert_element_type3A_29, %cond3A_30 : i32
    scf.if %cond3A_31 {
      %mul3A_229 = arith.constant 65536 : i32
      %mul3A_230 = arith.muli %add3A, %mul3A_229 : i32
      %add3A_231 = arith.constant 0 : i32
      %add3A_232 = arith.addi %mul3A_230, %add3A_231 : i32
      %multiple_of3A = tpu.assume_multiple %add3A_232, 8192 : i32
      %dma_wait3A = tpu.memref_slice %arg3[%multiple_of3A] : memref<2000000xf32, #tpu.memory_space<hbm>> -> memref<8192xf32, #tpu.memory_space<hbm>>
      %dma_wait3A_233 = tpu.memref_slice %arg3[%multiple_of3A] : memref<2000000xf32, #tpu.memory_space<hbm>> -> memref<8192xf32, #tpu.memory_space<hbm>>
      tpu.wait_dma2 semaphore(%arg23 : memref<!tpu.dma_semaphore, #tpu.memory_space<semaphore_mem>>) src(%dma_wait3A_233 : memref<8192xf32, #tpu.memory_space<hbm>>) dst(%arg14 : memref<8192xf32, #tpu.memory_space<vmem>>)
      %mul3A_234 = arith.constant 65536 : i32
      %mul3A_235 = arith.muli %add3A, %mul3A_234 : i32
      %add3A_236 = arith.constant 0 : i32
      %add3A_237 = arith.addi %mul3A_235, %add3A_236 : i32
      %multiple_of3A_238 = tpu.assume_multiple %add3A_237, 8192 : i32
      %dma_wait3A_239 = tpu.memref_slice %arg3[%multiple_of3A_238] : memref<2000000xf32, #tpu.memory_space<hbm>> -> memref<8192xf32, #tpu.memory_space<hbm>>
      %dma_wait3A_240 = tpu.memref_slice %arg3[%multiple_of3A_238] : memref<2000000xf32, #tpu.memory_space<hbm>> -> memref<8192xf32, #tpu.memory_space<hbm>>
      tpu.wait_dma2 semaphore(%arg21 : memref<!tpu.dma_semaphore, #tpu.memory_space<semaphore_mem>>) src(%dma_wait3A_240 : memref<8192xf32, #tpu.memory_space<hbm>>) dst(%arg10 : memref<8192xf32, #tpu.memory_space<vmem>>)
      %mul3A_241 = arith.constant 65536 : i32
      %mul3A_242 = arith.muli %add3A, %mul3A_241 : i32
      %add3A_243 = arith.constant 0 : i32
      %add3A_244 = arith.addi %mul3A_242, %add3A_243 : i32
      %multiple_of3A_245 = tpu.assume_multiple %add3A_244, 8192 : i32
      %dma_wait3A_246 = tpu.memref_slice %arg4[%multiple_of3A_245] : memref<2000000xi32, #tpu.memory_space<hbm>> -> memref<8192xi32, #tpu.memory_space<hbm>>
      %dma_wait3A_247 = tpu.memref_slice %arg4[%multiple_of3A_245] : memref<2000000xi32, #tpu.memory_space<hbm>> -> memref<8192xi32, #tpu.memory_space<hbm>>
      tpu.wait_dma2 semaphore(%arg21 : memref<!tpu.dma_semaphore, #tpu.memory_space<semaphore_mem>>) src(%dma_wait3A_247 : memref<8192xi32, #tpu.memory_space<hbm>>) dst(%arg12 : memref<8192xi32, #tpu.memory_space<vmem>>)
      %mul3A_248 = arith.constant 65536 : i32
      %mul3A_249 = arith.muli %add3A, %mul3A_248 : i32
      %add3A_250 = arith.constant 0 : i32
      %add3A_251 = arith.addi %mul3A_249, %add3A_250 : i32
      %multiple_of3A_252 = tpu.assume_multiple %add3A_251, 8192 : i32
      %dma_start3A = tpu.memref_slice %arg7[%multiple_of3A_252] : memref<2000000xf32, #tpu.memory_space<hbm>> -> memref<8192xf32, #tpu.memory_space<hbm>>
      %dma_start3A_253 = tpu.memref_slice %arg7[%multiple_of3A_252] : memref<2000000xf32, #tpu.memory_space<hbm>> -> memref<8192xf32, #tpu.memory_space<hbm>>
      tpu.enqueue_dma source(%arg16 : memref<8192xf32, #tpu.memory_space<vmem>>) target(%dma_start3A_253 : memref<8192xf32, #tpu.memory_space<hbm>>) target_semaphore(%arg25 : memref<!tpu.dma_semaphore, #tpu.memory_space<semaphore_mem>>)
    } else {
    }
    %gt3A_32 = arith.constant 2 : i32
    %gt3A_33 = arith.cmpi sgt, %select_n3A_5, %gt3A_32 : i32
    %convert_element_type3A_34 = arith.extui %gt3A_33 : i1 to i32
    %cond3A_35 = arith.constant 0 : i32
    %cond3A_36 = arith.cmpi ne, %convert_element_type3A_34, %cond3A_35 : i32
    scf.if %cond3A_36 {
      %mul3A_229 = arith.constant 65536 : i32
      %mul3A_230 = arith.muli %add3A, %mul3A_229 : i32
      %add3A_231 = arith.constant 16384 : i32
      %add3A_232 = arith.addi %mul3A_230, %add3A_231 : i32
      %multiple_of3A = tpu.assume_multiple %add3A_232, 8192 : i32
      %dma_start3A = tpu.memref_slice %arg2[%multiple_of3A] : memref<2000000xi32, #tpu.memory_space<hbm>> -> memref<8192xi32, #tpu.memory_space<hbm>>
      %dma_start3A_233 = tpu.memref_slice %arg2[%multiple_of3A] : memref<2000000xi32, #tpu.memory_space<hbm>> -> memref<8192xi32, #tpu.memory_space<hbm>>
      tpu.enqueue_dma source(%dma_start3A_233 : memref<8192xi32, #tpu.memory_space<hbm>>) target(%arg8 : memref<8192xi32, #tpu.memory_space<vmem>>) target_semaphore(%arg19 : memref<!tpu.dma_semaphore, #tpu.memory_space<semaphore_mem>>)
      %mul3A_234 = arith.constant 65536 : i32
      %mul3A_235 = arith.muli %add3A, %mul3A_234 : i32
      %add3A_236 = arith.constant 16384 : i32
      %add3A_237 = arith.addi %mul3A_235, %add3A_236 : i32
      %multiple_of3A_238 = tpu.assume_multiple %add3A_237, 8192 : i32
      %dma_start3A_239 = tpu.memref_slice %arg3[%multiple_of3A_238] : memref<2000000xf32, #tpu.memory_space<hbm>> -> memref<8192xf32, #tpu.memory_space<hbm>>
      %dma_start3A_240 = tpu.memref_slice %arg3[%multiple_of3A_238] : memref<2000000xf32, #tpu.memory_space<hbm>> -> memref<8192xf32, #tpu.memory_space<hbm>>
      tpu.enqueue_dma source(%dma_start3A_240 : memref<8192xf32, #tpu.memory_space<hbm>>) target(%arg10 : memref<8192xf32, #tpu.memory_space<vmem>>) target_semaphore(%arg21 : memref<!tpu.dma_semaphore, #tpu.memory_space<semaphore_mem>>)
      %mul3A_241 = arith.constant 65536 : i32
      %mul3A_242 = arith.muli %add3A, %mul3A_241 : i32
      %add3A_243 = arith.constant 16384 : i32
      %add3A_244 = arith.addi %mul3A_242, %add3A_243 : i32
      %multiple_of3A_245 = tpu.assume_multiple %add3A_244, 8192 : i32
      %dma_start3A_246 = tpu.memref_slice %arg4[%multiple_of3A_245] : memref<2000000xi32, #tpu.memory_space<hbm>> -> memref<8192xi32, #tpu.memory_space<hbm>>
      %dma_start3A_247 = tpu.memref_slice %arg4[%multiple_of3A_245] : memref<2000000xi32, #tpu.memory_space<hbm>> -> memref<8192xi32, #tpu.memory_space<hbm>>
      tpu.enqueue_dma source(%dma_start3A_247 : memref<8192xi32, #tpu.memory_space<hbm>>) target(%arg12 : memref<8192xi32, #tpu.memory_space<vmem>>) target_semaphore(%arg21 : memref<!tpu.dma_semaphore, #tpu.memory_space<semaphore_mem>>)
    } else {
    }
    %gt3A_37 = arith.constant 1 : i32
    %gt3A_38 = arith.cmpi sgt, %select_n3A_5, %gt3A_37 : i32
    %convert_element_type3A_39 = arith.extui %gt3A_38 : i1 to i32
    %cond3A_40 = arith.constant 0 : i32
    %cond3A_41 = arith.cmpi ne, %convert_element_type3A_39, %cond3A_40 : i32
    scf.if %cond3A_41 {
    } else {
    }
    %gt3A_42 = arith.constant 2 : i32
    %gt3A_43 = arith.cmpi sgt, %select_n3A_5, %gt3A_42 : i32
    %convert_element_type3A_44 = arith.extui %gt3A_43 : i1 to i32
    %cond3A_45 = arith.constant 0 : i32
    %cond3A_46 = arith.cmpi ne, %convert_element_type3A_44, %cond3A_45 : i32
    scf.if %cond3A_46 {
      %mul3A_229 = arith.constant 65536 : i32
      %mul3A_230 = arith.muli %add3A, %mul3A_229 : i32
      %add3A_231 = arith.constant 16384 : i32
      %add3A_232 = arith.addi %mul3A_230, %add3A_231 : i32
      %multiple_of3A = tpu.assume_multiple %add3A_232, 8192 : i32
      %dma_wait3A = tpu.memref_slice %arg2[%multiple_of3A] : memref<2000000xi32, #tpu.memory_space<hbm>> -> memref<8192xi32, #tpu.memory_space<hbm>>
      %dma_wait3A_233 = tpu.memref_slice %arg2[%multiple_of3A] : memref<2000000xi32, #tpu.memory_space<hbm>> -> memref<8192xi32, #tpu.memory_space<hbm>>
      tpu.wait_dma2 semaphore(%arg19 : memref<!tpu.dma_semaphore, #tpu.memory_space<semaphore_mem>>) src(%dma_wait3A_233 : memref<8192xi32, #tpu.memory_space<hbm>>) dst(%arg8 : memref<8192xi32, #tpu.memory_space<vmem>>)
      %dma_start3A = arith.constant 0 : i32
      %dma_start3A_234 = tpu.memref_slice %arg5[%dma_start3A] : memref<6400000xf32, #tpu.memory_space<hbm>> -> memref<6400000xf32, #tpu.memory_space<hbm>>
      tpu.enqueue_indirect_dma source(%dma_start3A_234 : memref<6400000xf32, #tpu.memory_space<hbm>>) target(%arg14 : memref<8192xf32, #tpu.memory_space<vmem>>) offsets(%arg8 : memref<8192xi32, #tpu.memory_space<vmem>>) semaphore(%arg23 : memref<!tpu.dma_semaphore, #tpu.memory_space<semaphore_mem>>)
    } else {
    }
    %gt3A_47 = arith.constant 1 : i32
    %gt3A_48 = arith.cmpi sgt, %select_n3A_5, %gt3A_47 : i32
    %convert_element_type3A_49 = arith.extui %gt3A_48 : i1 to i32
    %cond3A_50 = arith.constant 0 : i32
    %cond3A_51 = arith.cmpi ne, %convert_element_type3A_49, %cond3A_50 : i32
    scf.if %cond3A_51 {
      %mul3A_229 = arith.constant 65536 : i32
      %mul3A_230 = arith.muli %add3A, %mul3A_229 : i32
      %add3A_231 = arith.constant 8192 : i32
      %add3A_232 = arith.addi %mul3A_230, %add3A_231 : i32
      %multiple_of3A = tpu.assume_multiple %add3A_232, 8192 : i32
      %dma_wait3A = tpu.memref_slice %arg3[%multiple_of3A] : memref<2000000xf32, #tpu.memory_space<hbm>> -> memref<8192xf32, #tpu.memory_space<hbm>>
      %dma_wait3A_233 = tpu.memref_slice %arg3[%multiple_of3A] : memref<2000000xf32, #tpu.memory_space<hbm>> -> memref<8192xf32, #tpu.memory_space<hbm>>
      tpu.wait_dma2 semaphore(%arg24 : memref<!tpu.dma_semaphore, #tpu.memory_space<semaphore_mem>>) src(%dma_wait3A_233 : memref<8192xf32, #tpu.memory_space<hbm>>) dst(%arg15 : memref<8192xf32, #tpu.memory_space<vmem>>)
      %mul3A_234 = arith.constant 65536 : i32
      %mul3A_235 = arith.muli %add3A, %mul3A_234 : i32
      %add3A_236 = arith.constant 8192 : i32
      %add3A_237 = arith.addi %mul3A_235, %add3A_236 : i32
      %multiple_of3A_238 = tpu.assume_multiple %add3A_237, 8192 : i32
      %dma_wait3A_239 = tpu.memref_slice %arg3[%multiple_of3A_238] : memref<2000000xf32, #tpu.memory_space<hbm>> -> memref<8192xf32, #tpu.memory_space<hbm>>
      %dma_wait3A_240 = tpu.memref_slice %arg3[%multiple_of3A_238] : memref<2000000xf32, #tpu.memory_space<hbm>> -> memref<8192xf32, #tpu.memory_space<hbm>>
      tpu.wait_dma2 semaphore(%arg22 : memref<!tpu.dma_semaphore, #tpu.memory_space<semaphore_mem>>) src(%dma_wait3A_240 : memref<8192xf32, #tpu.memory_space<hbm>>) dst(%arg11 : memref<8192xf32, #tpu.memory_space<vmem>>)
      %mul3A_241 = arith.constant 65536 : i32
      %mul3A_242 = arith.muli %add3A, %mul3A_241 : i32
      %add3A_243 = arith.constant 8192 : i32
      %add3A_244 = arith.addi %mul3A_242, %add3A_243 : i32
      %multiple_of3A_245 = tpu.assume_multiple %add3A_244, 8192 : i32
      %dma_wait3A_246 = tpu.memref_slice %arg4[%multiple_of3A_245] : memref<2000000xi32, #tpu.memory_space<hbm>> -> memref<8192xi32, #tpu.memory_space<hbm>>
      %dma_wait3A_247 = tpu.memref_slice %arg4[%multiple_of3A_245] : memref<2000000xi32, #tpu.memory_space<hbm>> -> memref<8192xi32, #tpu.memory_space<hbm>>
      tpu.wait_dma2 semaphore(%arg22 : memref<!tpu.dma_semaphore, #tpu.memory_space<semaphore_mem>>) src(%dma_wait3A_247 : memref<8192xi32, #tpu.memory_space<hbm>>) dst(%arg13 : memref<8192xi32, #tpu.memory_space<vmem>>)
      %mul3A_248 = arith.constant 65536 : i32
      %mul3A_249 = arith.muli %add3A, %mul3A_248 : i32
      %add3A_250 = arith.constant 8192 : i32
      %add3A_251 = arith.addi %mul3A_249, %add3A_250 : i32
      %multiple_of3A_252 = tpu.assume_multiple %add3A_251, 8192 : i32
      %dma_start3A = tpu.memref_slice %arg7[%multiple_of3A_252] : memref<2000000xf32, #tpu.memory_space<hbm>> -> memref<8192xf32, #tpu.memory_space<hbm>>
      %dma_start3A_253 = tpu.memref_slice %arg7[%multiple_of3A_252] : memref<2000000xf32, #tpu.memory_space<hbm>> -> memref<8192xf32, #tpu.memory_space<hbm>>
      tpu.enqueue_dma source(%arg17 : memref<8192xf32, #tpu.memory_space<vmem>>) target(%dma_start3A_253 : memref<8192xf32, #tpu.memory_space<hbm>>) target_semaphore(%arg26 : memref<!tpu.dma_semaphore, #tpu.memory_space<semaphore_mem>>)
    } else {
    }
    %gt3A_52 = arith.constant 3 : i32
    %gt3A_53 = arith.cmpi sgt, %select_n3A_5, %gt3A_52 : i32
    %convert_element_type3A_54 = arith.extui %gt3A_53 : i1 to i32
    %cond3A_55 = arith.constant 0 : i32
    %cond3A_56 = arith.cmpi ne, %convert_element_type3A_54, %cond3A_55 : i32
    scf.if %cond3A_56 {
      %mul3A_229 = arith.constant 65536 : i32
      %mul3A_230 = arith.muli %add3A, %mul3A_229 : i32
      %add3A_231 = arith.constant 24576 : i32
      %add3A_232 = arith.addi %mul3A_230, %add3A_231 : i32
      %multiple_of3A = tpu.assume_multiple %add3A_232, 8192 : i32
      %dma_start3A = tpu.memref_slice %arg2[%multiple_of3A] : memref<2000000xi32, #tpu.memory_space<hbm>> -> memref<8192xi32, #tpu.memory_space<hbm>>
      %dma_start3A_233 = tpu.memref_slice %arg2[%multiple_of3A] : memref<2000000xi32, #tpu.memory_space<hbm>> -> memref<8192xi32, #tpu.memory_space<hbm>>
      tpu.enqueue_dma source(%dma_start3A_233 : memref<8192xi32, #tpu.memory_space<hbm>>) target(%arg9 : memref<8192xi32, #tpu.memory_space<vmem>>) target_semaphore(%arg20 : memref<!tpu.dma_semaphore, #tpu.memory_space<semaphore_mem>>)
      %mul3A_234 = arith.constant 65536 : i32
      %mul3A_235 = arith.muli %add3A, %mul3A_234 : i32
      %add3A_236 = arith.constant 24576 : i32
      %add3A_237 = arith.addi %mul3A_235, %add3A_236 : i32
      %multiple_of3A_238 = tpu.assume_multiple %add3A_237, 8192 : i32
      %dma_start3A_239 = tpu.memref_slice %arg3[%multiple_of3A_238] : memref<2000000xf32, #tpu.memory_space<hbm>> -> memref<8192xf32, #tpu.memory_space<hbm>>
      %dma_start3A_240 = tpu.memref_slice %arg3[%multiple_of3A_238] : memref<2000000xf32, #tpu.memory_space<hbm>> -> memref<8192xf32, #tpu.memory_space<hbm>>
      tpu.enqueue_dma source(%dma_start3A_240 : memref<8192xf32, #tpu.memory_space<hbm>>) target(%arg11 : memref<8192xf32, #tpu.memory_space<vmem>>) target_semaphore(%arg22 : memref<!tpu.dma_semaphore, #tpu.memory_space<semaphore_mem>>)
      %mul3A_241 = arith.constant 65536 : i32
      %mul3A_242 = arith.muli %add3A, %mul3A_241 : i32
      %add3A_243 = arith.constant 24576 : i32
      %add3A_244 = arith.addi %mul3A_242, %add3A_243 : i32
      %multiple_of3A_245 = tpu.assume_multiple %add3A_244, 8192 : i32
      %dma_start3A_246 = tpu.memref_slice %arg4[%multiple_of3A_245] : memref<2000000xi32, #tpu.memory_space<hbm>> -> memref<8192xi32, #tpu.memory_space<hbm>>
      %dma_start3A_247 = tpu.memref_slice %arg4[%multiple_of3A_245] : memref<2000000xi32, #tpu.memory_space<hbm>> -> memref<8192xi32, #tpu.memory_space<hbm>>
      tpu.enqueue_dma source(%dma_start3A_247 : memref<8192xi32, #tpu.memory_space<hbm>>) target(%arg13 : memref<8192xi32, #tpu.memory_space<vmem>>) target_semaphore(%arg22 : memref<!tpu.dma_semaphore, #tpu.memory_space<semaphore_mem>>)
    } else {
    }
    %gt3A_57 = arith.constant 2 : i32
    %gt3A_58 = arith.cmpi sgt, %select_n3A_5, %gt3A_57 : i32
    %convert_element_type3A_59 = arith.extui %gt3A_58 : i1 to i32
    %cond3A_60 = arith.constant 0 : i32
    %cond3A_61 = arith.cmpi ne, %convert_element_type3A_59, %cond3A_60 : i32
    scf.if %cond3A_61 {
    } else {
    }
    %gt3A_62 = arith.constant 3 : i32
    %gt3A_63 = arith.cmpi sgt, %select_n3A_5, %gt3A_62 : i32
    %convert_element_type3A_64 = arith.extui %gt3A_63 : i1 to i32
    %cond3A_65 = arith.constant 0 : i32
    %cond3A_66 = arith.cmpi ne, %convert_element_type3A_64, %cond3A_65 : i32
    scf.if %cond3A_66 {
      %mul3A_229 = arith.constant 65536 : i32
      %mul3A_230 = arith.muli %add3A, %mul3A_229 : i32
      %add3A_231 = arith.constant 24576 : i32
      %add3A_232 = arith.addi %mul3A_230, %add3A_231 : i32
      %multiple_of3A = tpu.assume_multiple %add3A_232, 8192 : i32
      %dma_wait3A = tpu.memref_slice %arg2[%multiple_of3A] : memref<2000000xi32, #tpu.memory_space<hbm>> -> memref<8192xi32, #tpu.memory_space<hbm>>
      %dma_wait3A_233 = tpu.memref_slice %arg2[%multiple_of3A] : memref<2000000xi32, #tpu.memory_space<hbm>> -> memref<8192xi32, #tpu.memory_space<hbm>>
      tpu.wait_dma2 semaphore(%arg20 : memref<!tpu.dma_semaphore, #tpu.memory_space<semaphore_mem>>) src(%dma_wait3A_233 : memref<8192xi32, #tpu.memory_space<hbm>>) dst(%arg9 : memref<8192xi32, #tpu.memory_space<vmem>>)
      %dma_start3A = arith.constant 0 : i32
      %dma_start3A_234 = tpu.memref_slice %arg5[%dma_start3A] : memref<6400000xf32, #tpu.memory_space<hbm>> -> memref<6400000xf32, #tpu.memory_space<hbm>>
      tpu.enqueue_indirect_dma source(%dma_start3A_234 : memref<6400000xf32, #tpu.memory_space<hbm>>) target(%arg15 : memref<8192xf32, #tpu.memory_space<vmem>>) offsets(%arg9 : memref<8192xi32, #tpu.memory_space<vmem>>) semaphore(%arg24 : memref<!tpu.dma_semaphore, #tpu.memory_space<semaphore_mem>>)
    } else {
    }
    %gt3A_67 = arith.constant 2 : i32
    %gt3A_68 = arith.cmpi sgt, %select_n3A_5, %gt3A_67 : i32
    %convert_element_type3A_69 = arith.extui %gt3A_68 : i1 to i32
    %cond3A_70 = arith.constant 0 : i32
    %cond3A_71 = arith.cmpi ne, %convert_element_type3A_69, %cond3A_70 : i32
    scf.if %cond3A_71 {
      %mul3A_229 = arith.constant 65536 : i32
      %mul3A_230 = arith.muli %add3A, %mul3A_229 : i32
      %add3A_231 = arith.constant 16384 : i32
      %add3A_232 = arith.addi %mul3A_230, %add3A_231 : i32
      %multiple_of3A = tpu.assume_multiple %add3A_232, 8192 : i32
      %dma_wait3A = tpu.memref_slice %arg3[%multiple_of3A] : memref<2000000xf32, #tpu.memory_space<hbm>> -> memref<8192xf32, #tpu.memory_space<hbm>>
      %dma_wait3A_233 = tpu.memref_slice %arg3[%multiple_of3A] : memref<2000000xf32, #tpu.memory_space<hbm>> -> memref<8192xf32, #tpu.memory_space<hbm>>
      tpu.wait_dma2 semaphore(%arg23 : memref<!tpu.dma_semaphore, #tpu.memory_space<semaphore_mem>>) src(%dma_wait3A_233 : memref<8192xf32, #tpu.memory_space<hbm>>) dst(%arg14 : memref<8192xf32, #tpu.memory_space<vmem>>)
      %mul3A_234 = arith.constant 65536 : i32
      %mul3A_235 = arith.muli %add3A, %mul3A_234 : i32
      %add3A_236 = arith.constant 16384 : i32
      %add3A_237 = arith.addi %mul3A_235, %add3A_236 : i32
      %multiple_of3A_238 = tpu.assume_multiple %add3A_237, 8192 : i32
      %dma_wait3A_239 = tpu.memref_slice %arg3[%multiple_of3A_238] : memref<2000000xf32, #tpu.memory_space<hbm>> -> memref<8192xf32, #tpu.memory_space<hbm>>
      %dma_wait3A_240 = tpu.memref_slice %arg3[%multiple_of3A_238] : memref<2000000xf32, #tpu.memory_space<hbm>> -> memref<8192xf32, #tpu.memory_space<hbm>>
      tpu.wait_dma2 semaphore(%arg21 : memref<!tpu.dma_semaphore, #tpu.memory_space<semaphore_mem>>) src(%dma_wait3A_240 : memref<8192xf32, #tpu.memory_space<hbm>>) dst(%arg10 : memref<8192xf32, #tpu.memory_space<vmem>>)
      %mul3A_241 = arith.constant 65536 : i32
      %mul3A_242 = arith.muli %add3A, %mul3A_241 : i32
      %add3A_243 = arith.constant 16384 : i32
      %add3A_244 = arith.addi %mul3A_242, %add3A_243 : i32
      %multiple_of3A_245 = tpu.assume_multiple %add3A_244, 8192 : i32
      %dma_wait3A_246 = tpu.memref_slice %arg4[%multiple_of3A_245] : memref<2000000xi32, #tpu.memory_space<hbm>> -> memref<8192xi32, #tpu.memory_space<hbm>>
      %dma_wait3A_247 = tpu.memref_slice %arg4[%multiple_of3A_245] : memref<2000000xi32, #tpu.memory_space<hbm>> -> memref<8192xi32, #tpu.memory_space<hbm>>
      tpu.wait_dma2 semaphore(%arg21 : memref<!tpu.dma_semaphore, #tpu.memory_space<semaphore_mem>>) src(%dma_wait3A_247 : memref<8192xi32, #tpu.memory_space<hbm>>) dst(%arg12 : memref<8192xi32, #tpu.memory_space<vmem>>)
      %mul3A_248 = arith.constant 65536 : i32
      %mul3A_249 = arith.muli %add3A, %mul3A_248 : i32
      %add3A_250 = arith.constant 0 : i32
      %add3A_251 = arith.addi %mul3A_249, %add3A_250 : i32
      %multiple_of3A_252 = tpu.assume_multiple %add3A_251, 8192 : i32
      %dma_wait3A_253 = tpu.memref_slice %arg7[%multiple_of3A_252] : memref<2000000xf32, #tpu.memory_space<hbm>> -> memref<8192xf32, #tpu.memory_space<hbm>>
      %dma_wait3A_254 = tpu.memref_slice %arg7[%multiple_of3A_252] : memref<2000000xf32, #tpu.memory_space<hbm>> -> memref<8192xf32, #tpu.memory_space<hbm>>
      tpu.wait_dma2 semaphore(%arg25 : memref<!tpu.dma_semaphore, #tpu.memory_space<semaphore_mem>>) src(%dma_wait3A_254 : memref<8192xf32, #tpu.memory_space<hbm>>) dst(%arg16 : memref<8192xf32, #tpu.memory_space<vmem>>)
      %mul3A_255 = arith.constant 65536 : i32
      %mul3A_256 = arith.muli %add3A, %mul3A_255 : i32
      %add3A_257 = arith.constant 16384 : i32
      %add3A_258 = arith.addi %mul3A_256, %add3A_257 : i32
      %multiple_of3A_259 = tpu.assume_multiple %add3A_258, 8192 : i32
      %dma_start3A = tpu.memref_slice %arg7[%multiple_of3A_259] : memref<2000000xf32, #tpu.memory_space<hbm>> -> memref<8192xf32, #tpu.memory_space<hbm>>
      %dma_start3A_260 = tpu.memref_slice %arg7[%multiple_of3A_259] : memref<2000000xf32, #tpu.memory_space<hbm>> -> memref<8192xf32, #tpu.memory_space<hbm>>
      tpu.enqueue_dma source(%arg16 : memref<8192xf32, #tpu.memory_space<vmem>>) target(%dma_start3A_260 : memref<8192xf32, #tpu.memory_space<hbm>>) target_semaphore(%arg25 : memref<!tpu.dma_semaphore, #tpu.memory_space<semaphore_mem>>)
    } else {
    }
    %gt3A_72 = arith.constant 4 : i32
    %gt3A_73 = arith.cmpi sgt, %select_n3A_5, %gt3A_72 : i32
    %convert_element_type3A_74 = arith.extui %gt3A_73 : i1 to i32
    %cond3A_75 = arith.constant 0 : i32
    %cond3A_76 = arith.cmpi ne, %convert_element_type3A_74, %cond3A_75 : i32
    scf.if %cond3A_76 {
      %mul3A_229 = arith.constant 65536 : i32
      %mul3A_230 = arith.muli %add3A, %mul3A_229 : i32
      %add3A_231 = arith.constant 32768 : i32
      %add3A_232 = arith.addi %mul3A_230, %add3A_231 : i32
      %multiple_of3A = tpu.assume_multiple %add3A_232, 8192 : i32
      %dma_start3A = tpu.memref_slice %arg2[%multiple_of3A] : memref<2000000xi32, #tpu.memory_space<hbm>> -> memref<8192xi32, #tpu.memory_space<hbm>>
      %dma_start3A_233 = tpu.memref_slice %arg2[%multiple_of3A] : memref<2000000xi32, #tpu.memory_space<hbm>> -> memref<8192xi32, #tpu.memory_space<hbm>>
      tpu.enqueue_dma source(%dma_start3A_233 : memref<8192xi32, #tpu.memory_space<hbm>>) target(%arg8 : memref<8192xi32, #tpu.memory_space<vmem>>) target_semaphore(%arg19 : memref<!tpu.dma_semaphore, #tpu.memory_space<semaphore_mem>>)
      %mul3A_234 = arith.constant 65536 : i32
      %mul3A_235 = arith.muli %add3A, %mul3A_234 : i32
      %add3A_236 = arith.constant 32768 : i32
      %add3A_237 = arith.addi %mul3A_235, %add3A_236 : i32
      %multiple_of3A_238 = tpu.assume_multiple %add3A_237, 8192 : i32
      %dma_start3A_239 = tpu.memref_slice %arg3[%multiple_of3A_238] : memref<2000000xf32, #tpu.memory_space<hbm>> -> memref<8192xf32, #tpu.memory_space<hbm>>
      %dma_start3A_240 = tpu.memref_slice %arg3[%multiple_of3A_238] : memref<2000000xf32, #tpu.memory_space<hbm>> -> memref<8192xf32, #tpu.memory_space<hbm>>
      tpu.enqueue_dma source(%dma_start3A_240 : memref<8192xf32, #tpu.memory_space<hbm>>) target(%arg10 : memref<8192xf32, #tpu.memory_space<vmem>>) target_semaphore(%arg21 : memref<!tpu.dma_semaphore, #tpu.memory_space<semaphore_mem>>)
      %mul3A_241 = arith.constant 65536 : i32
      %mul3A_242 = arith.muli %add3A, %mul3A_241 : i32
      %add3A_243 = arith.constant 32768 : i32
      %add3A_244 = arith.addi %mul3A_242, %add3A_243 : i32
      %multiple_of3A_245 = tpu.assume_multiple %add3A_244, 8192 : i32
      %dma_start3A_246 = tpu.memref_slice %arg4[%multiple_of3A_245] : memref<2000000xi32, #tpu.memory_space<hbm>> -> memref<8192xi32, #tpu.memory_space<hbm>>
      %dma_start3A_247 = tpu.memref_slice %arg4[%multiple_of3A_245] : memref<2000000xi32, #tpu.memory_space<hbm>> -> memref<8192xi32, #tpu.memory_space<hbm>>
      tpu.enqueue_dma source(%dma_start3A_247 : memref<8192xi32, #tpu.memory_space<hbm>>) target(%arg12 : memref<8192xi32, #tpu.memory_space<vmem>>) target_semaphore(%arg21 : memref<!tpu.dma_semaphore, #tpu.memory_space<semaphore_mem>>)
    } else {
    }
    %gt3A_77 = arith.constant 3 : i32
    %gt3A_78 = arith.cmpi sgt, %select_n3A_5, %gt3A_77 : i32
    %convert_element_type3A_79 = arith.extui %gt3A_78 : i1 to i32
    %cond3A_80 = arith.constant 0 : i32
    %cond3A_81 = arith.cmpi ne, %convert_element_type3A_79, %cond3A_80 : i32
    scf.if %cond3A_81 {
    } else {
    }
    %gt3A_82 = arith.constant 4 : i32
    %gt3A_83 = arith.cmpi sgt, %select_n3A_5, %gt3A_82 : i32
    %convert_element_type3A_84 = arith.extui %gt3A_83 : i1 to i32
    %cond3A_85 = arith.constant 0 : i32
    %cond3A_86 = arith.cmpi ne, %convert_element_type3A_84, %cond3A_85 : i32
    scf.if %cond3A_86 {
      %mul3A_229 = arith.constant 65536 : i32
      %mul3A_230 = arith.muli %add3A, %mul3A_229 : i32
      %add3A_231 = arith.constant 32768 : i32
      %add3A_232 = arith.addi %mul3A_230, %add3A_231 : i32
      %multiple_of3A = tpu.assume_multiple %add3A_232, 8192 : i32
      %dma_wait3A = tpu.memref_slice %arg2[%multiple_of3A] : memref<2000000xi32, #tpu.memory_space<hbm>> -> memref<8192xi32, #tpu.memory_space<hbm>>
      %dma_wait3A_233 = tpu.memref_slice %arg2[%multiple_of3A] : memref<2000000xi32, #tpu.memory_space<hbm>> -> memref<8192xi32, #tpu.memory_space<hbm>>
      tpu.wait_dma2 semaphore(%arg19 : memref<!tpu.dma_semaphore, #tpu.memory_space<semaphore_mem>>) src(%dma_wait3A_233 : memref<8192xi32, #tpu.memory_space<hbm>>) dst(%arg8 : memref<8192xi32, #tpu.memory_space<vmem>>)
      %dma_start3A = arith.constant 0 : i32
      %dma_start3A_234 = tpu.memref_slice %arg5[%dma_start3A] : memref<6400000xf32, #tpu.memory_space<hbm>> -> memref<6400000xf32, #tpu.memory_space<hbm>>
      tpu.enqueue_indirect_dma source(%dma_start3A_234 : memref<6400000xf32, #tpu.memory_space<hbm>>) target(%arg14 : memref<8192xf32, #tpu.memory_space<vmem>>) offsets(%arg8 : memref<8192xi32, #tpu.memory_space<vmem>>) semaphore(%arg23 : memref<!tpu.dma_semaphore, #tpu.memory_space<semaphore_mem>>)
    } else {
    }
    %gt3A_87 = arith.constant 3 : i32
    %gt3A_88 = arith.cmpi sgt, %select_n3A_5, %gt3A_87 : i32
    %convert_element_type3A_89 = arith.extui %gt3A_88 : i1 to i32
    %cond3A_90 = arith.constant 0 : i32
    %cond3A_91 = arith.cmpi ne, %convert_element_type3A_89, %cond3A_90 : i32
    scf.if %cond3A_91 {
      %mul3A_229 = arith.constant 65536 : i32
      %mul3A_230 = arith.muli %add3A, %mul3A_229 : i32
      %add3A_231 = arith.constant 24576 : i32
      %add3A_232 = arith.addi %mul3A_230, %add3A_231 : i32
      %multiple_of3A = tpu.assume_multiple %add3A_232, 8192 : i32
      %dma_wait3A = tpu.memref_slice %arg3[%multiple_of3A] : memref<2000000xf32, #tpu.memory_space<hbm>> -> memref<8192xf32, #tpu.memory_space<hbm>>
      %dma_wait3A_233 = tpu.memref_slice %arg3[%multiple_of3A] : memref<2000000xf32, #tpu.memory_space<hbm>> -> memref<8192xf32, #tpu.memory_space<hbm>>
      tpu.wait_dma2 semaphore(%arg24 : memref<!tpu.dma_semaphore, #tpu.memory_space<semaphore_mem>>) src(%dma_wait3A_233 : memref<8192xf32, #tpu.memory_space<hbm>>) dst(%arg15 : memref<8192xf32, #tpu.memory_space<vmem>>)
      %mul3A_234 = arith.constant 65536 : i32
      %mul3A_235 = arith.muli %add3A, %mul3A_234 : i32
      %add3A_236 = arith.constant 24576 : i32
      %add3A_237 = arith.addi %mul3A_235, %add3A_236 : i32
      %multiple_of3A_238 = tpu.assume_multiple %add3A_237, 8192 : i32
      %dma_wait3A_239 = tpu.memref_slice %arg3[%multiple_of3A_238] : memref<2000000xf32, #tpu.memory_space<hbm>> -> memref<8192xf32, #tpu.memory_space<hbm>>
      %dma_wait3A_240 = tpu.memref_slice %arg3[%multiple_of3A_238] : memref<2000000xf32, #tpu.memory_space<hbm>> -> memref<8192xf32, #tpu.memory_space<hbm>>
      tpu.wait_dma2 semaphore(%arg22 : memref<!tpu.dma_semaphore, #tpu.memory_space<semaphore_mem>>) src(%dma_wait3A_240 : memref<8192xf32, #tpu.memory_space<hbm>>) dst(%arg11 : memref<8192xf32, #tpu.memory_space<vmem>>)
      %mul3A_241 = arith.constant 65536 : i32
      %mul3A_242 = arith.muli %add3A, %mul3A_241 : i32
      %add3A_243 = arith.constant 24576 : i32
      %add3A_244 = arith.addi %mul3A_242, %add3A_243 : i32
      %multiple_of3A_245 = tpu.assume_multiple %add3A_244, 8192 : i32
      %dma_wait3A_246 = tpu.memref_slice %arg4[%multiple_of3A_245] : memref<2000000xi32, #tpu.memory_space<hbm>> -> memref<8192xi32, #tpu.memory_space<hbm>>
      %dma_wait3A_247 = tpu.memref_slice %arg4[%multiple_of3A_245] : memref<2000000xi32, #tpu.memory_space<hbm>> -> memref<8192xi32, #tpu.memory_space<hbm>>
      tpu.wait_dma2 semaphore(%arg22 : memref<!tpu.dma_semaphore, #tpu.memory_space<semaphore_mem>>) src(%dma_wait3A_247 : memref<8192xi32, #tpu.memory_space<hbm>>) dst(%arg13 : memref<8192xi32, #tpu.memory_space<vmem>>)
      %mul3A_248 = arith.constant 65536 : i32
      %mul3A_249 = arith.muli %add3A, %mul3A_248 : i32
      %add3A_250 = arith.constant 8192 : i32
      %add3A_251 = arith.addi %mul3A_249, %add3A_250 : i32
      %multiple_of3A_252 = tpu.assume_multiple %add3A_251, 8192 : i32
      %dma_wait3A_253 = tpu.memref_slice %arg7[%multiple_of3A_252] : memref<2000000xf32, #tpu.memory_space<hbm>> -> memref<8192xf32, #tpu.memory_space<hbm>>
      %dma_wait3A_254 = tpu.memref_slice %arg7[%multiple_of3A_252] : memref<2000000xf32, #tpu.memory_space<hbm>> -> memref<8192xf32, #tpu.memory_space<hbm>>
      tpu.wait_dma2 semaphore(%arg26 : memref<!tpu.dma_semaphore, #tpu.memory_space<semaphore_mem>>) src(%dma_wait3A_254 : memref<8192xf32, #tpu.memory_space<hbm>>) dst(%arg17 : memref<8192xf32, #tpu.memory_space<vmem>>)
      %mul3A_255 = arith.constant 65536 : i32
      %mul3A_256 = arith.muli %add3A, %mul3A_255 : i32
      %add3A_257 = arith.constant 24576 : i32
      %add3A_258 = arith.addi %mul3A_256, %add3A_257 : i32
      %multiple_of3A_259 = tpu.assume_multiple %add3A_258, 8192 : i32
      %dma_start3A = tpu.memref_slice %arg7[%multiple_of3A_259] : memref<2000000xf32, #tpu.memory_space<hbm>> -> memref<8192xf32, #tpu.memory_space<hbm>>
      %dma_start3A_260 = tpu.memref_slice %arg7[%multiple_of3A_259] : memref<2000000xf32, #tpu.memory_space<hbm>> -> memref<8192xf32, #tpu.memory_space<hbm>>
      tpu.enqueue_dma source(%arg17 : memref<8192xf32, #tpu.memory_space<vmem>>) target(%dma_start3A_260 : memref<8192xf32, #tpu.memory_space<hbm>>) target_semaphore(%arg26 : memref<!tpu.dma_semaphore, #tpu.memory_space<semaphore_mem>>)
    } else {
    }
    %gt3A_92 = arith.constant 5 : i32
    %gt3A_93 = arith.cmpi sgt, %select_n3A_5, %gt3A_92 : i32
    %convert_element_type3A_94 = arith.extui %gt3A_93 : i1 to i32
    %cond3A_95 = arith.constant 0 : i32
    %cond3A_96 = arith.cmpi ne, %convert_element_type3A_94, %cond3A_95 : i32
    scf.if %cond3A_96 {
      %mul3A_229 = arith.constant 65536 : i32
      %mul3A_230 = arith.muli %add3A, %mul3A_229 : i32
      %add3A_231 = arith.constant 40960 : i32
      %add3A_232 = arith.addi %mul3A_230, %add3A_231 : i32
      %multiple_of3A = tpu.assume_multiple %add3A_232, 8192 : i32
      %dma_start3A = tpu.memref_slice %arg2[%multiple_of3A] : memref<2000000xi32, #tpu.memory_space<hbm>> -> memref<8192xi32, #tpu.memory_space<hbm>>
      %dma_start3A_233 = tpu.memref_slice %arg2[%multiple_of3A] : memref<2000000xi32, #tpu.memory_space<hbm>> -> memref<8192xi32, #tpu.memory_space<hbm>>
      tpu.enqueue_dma source(%dma_start3A_233 : memref<8192xi32, #tpu.memory_space<hbm>>) target(%arg9 : memref<8192xi32, #tpu.memory_space<vmem>>) target_semaphore(%arg20 : memref<!tpu.dma_semaphore, #tpu.memory_space<semaphore_mem>>)
      %mul3A_234 = arith.constant 65536 : i32
      %mul3A_235 = arith.muli %add3A, %mul3A_234 : i32
      %add3A_236 = arith.constant 40960 : i32
      %add3A_237 = arith.addi %mul3A_235, %add3A_236 : i32
      %multiple_of3A_238 = tpu.assume_multiple %add3A_237, 8192 : i32
      %dma_start3A_239 = tpu.memref_slice %arg3[%multiple_of3A_238] : memref<2000000xf32, #tpu.memory_space<hbm>> -> memref<8192xf32, #tpu.memory_space<hbm>>
      %dma_start3A_240 = tpu.memref_slice %arg3[%multiple_of3A_238] : memref<2000000xf32, #tpu.memory_space<hbm>> -> memref<8192xf32, #tpu.memory_space<hbm>>
      tpu.enqueue_dma source(%dma_start3A_240 : memref<8192xf32, #tpu.memory_space<hbm>>) target(%arg11 : memref<8192xf32, #tpu.memory_space<vmem>>) target_semaphore(%arg22 : memref<!tpu.dma_semaphore, #tpu.memory_space<semaphore_mem>>)
      %mul3A_241 = arith.constant 65536 : i32
      %mul3A_242 = arith.muli %add3A, %mul3A_241 : i32
      %add3A_243 = arith.constant 40960 : i32
      %add3A_244 = arith.addi %mul3A_242, %add3A_243 : i32
      %multiple_of3A_245 = tpu.assume_multiple %add3A_244, 8192 : i32
      %dma_start3A_246 = tpu.memref_slice %arg4[%multiple_of3A_245] : memref<2000000xi32, #tpu.memory_space<hbm>> -> memref<8192xi32, #tpu.memory_space<hbm>>
      %dma_start3A_247 = tpu.memref_slice %arg4[%multiple_of3A_245] : memref<2000000xi32, #tpu.memory_space<hbm>> -> memref<8192xi32, #tpu.memory_space<hbm>>
      tpu.enqueue_dma source(%dma_start3A_247 : memref<8192xi32, #tpu.memory_space<hbm>>) target(%arg13 : memref<8192xi32, #tpu.memory_space<vmem>>) target_semaphore(%arg22 : memref<!tpu.dma_semaphore, #tpu.memory_space<semaphore_mem>>)
    } else {
    }
    %gt3A_97 = arith.constant 4 : i32
    %gt3A_98 = arith.cmpi sgt, %select_n3A_5, %gt3A_97 : i32
    %convert_element_type3A_99 = arith.extui %gt3A_98 : i1 to i32
    %cond3A_100 = arith.constant 0 : i32
    %cond3A_101 = arith.cmpi ne, %convert_element_type3A_99, %cond3A_100 : i32
    scf.if %cond3A_101 {
    } else {
    }
    %gt3A_102 = arith.constant 5 : i32
    %gt3A_103 = arith.cmpi sgt, %select_n3A_5, %gt3A_102 : i32
    %convert_element_type3A_104 = arith.extui %gt3A_103 : i1 to i32
    %cond3A_105 = arith.constant 0 : i32
    %cond3A_106 = arith.cmpi ne, %convert_element_type3A_104, %cond3A_105 : i32
    scf.if %cond3A_106 {
      %mul3A_229 = arith.constant 65536 : i32
      %mul3A_230 = arith.muli %add3A, %mul3A_229 : i32
      %add3A_231 = arith.constant 40960 : i32
      %add3A_232 = arith.addi %mul3A_230, %add3A_231 : i32
      %multiple_of3A = tpu.assume_multiple %add3A_232, 8192 : i32
      %dma_wait3A = tpu.memref_slice %arg2[%multiple_of3A] : memref<2000000xi32, #tpu.memory_space<hbm>> -> memref<8192xi32, #tpu.memory_space<hbm>>
      %dma_wait3A_233 = tpu.memref_slice %arg2[%multiple_of3A] : memref<2000000xi32, #tpu.memory_space<hbm>> -> memref<8192xi32, #tpu.memory_space<hbm>>
      tpu.wait_dma2 semaphore(%arg20 : memref<!tpu.dma_semaphore, #tpu.memory_space<semaphore_mem>>) src(%dma_wait3A_233 : memref<8192xi32, #tpu.memory_space<hbm>>) dst(%arg9 : memref<8192xi32, #tpu.memory_space<vmem>>)
      %dma_start3A = arith.constant 0 : i32
      %dma_start3A_234 = tpu.memref_slice %arg5[%dma_start3A] : memref<6400000xf32, #tpu.memory_space<hbm>> -> memref<6400000xf32, #tpu.memory_space<hbm>>
      tpu.enqueue_indirect_dma source(%dma_start3A_234 : memref<6400000xf32, #tpu.memory_space<hbm>>) target(%arg15 : memref<8192xf32, #tpu.memory_space<vmem>>) offsets(%arg9 : memref<8192xi32, #tpu.memory_space<vmem>>) semaphore(%arg24 : memref<!tpu.dma_semaphore, #tpu.memory_space<semaphore_mem>>)
    } else {
    }
    %gt3A_107 = arith.constant 4 : i32
    %gt3A_108 = arith.cmpi sgt, %select_n3A_5, %gt3A_107 : i32
    %convert_element_type3A_109 = arith.extui %gt3A_108 : i1 to i32
    %cond3A_110 = arith.constant 0 : i32
    %cond3A_111 = arith.cmpi ne, %convert_element_type3A_109, %cond3A_110 : i32
    scf.if %cond3A_111 {
      %mul3A_229 = arith.constant 65536 : i32
      %mul3A_230 = arith.muli %add3A, %mul3A_229 : i32
      %add3A_231 = arith.constant 32768 : i32
      %add3A_232 = arith.addi %mul3A_230, %add3A_231 : i32
      %multiple_of3A = tpu.assume_multiple %add3A_232, 8192 : i32
      %dma_wait3A = tpu.memref_slice %arg3[%multiple_of3A] : memref<2000000xf32, #tpu.memory_space<hbm>> -> memref<8192xf32, #tpu.memory_space<hbm>>
      %dma_wait3A_233 = tpu.memref_slice %arg3[%multiple_of3A] : memref<2000000xf32, #tpu.memory_space<hbm>> -> memref<8192xf32, #tpu.memory_space<hbm>>
      tpu.wait_dma2 semaphore(%arg23 : memref<!tpu.dma_semaphore, #tpu.memory_space<semaphore_mem>>) src(%dma_wait3A_233 : memref<8192xf32, #tpu.memory_space<hbm>>) dst(%arg14 : memref<8192xf32, #tpu.memory_space<vmem>>)
      %mul3A_234 = arith.constant 65536 : i32
      %mul3A_235 = arith.muli %add3A, %mul3A_234 : i32
      %add3A_236 = arith.constant 32768 : i32
      %add3A_237 = arith.addi %mul3A_235, %add3A_236 : i32
      %multiple_of3A_238 = tpu.assume_multiple %add3A_237, 8192 : i32
      %dma_wait3A_239 = tpu.memref_slice %arg3[%multiple_of3A_238] : memref<2000000xf32, #tpu.memory_space<hbm>> -> memref<8192xf32, #tpu.memory_space<hbm>>
      %dma_wait3A_240 = tpu.memref_slice %arg3[%multiple_of3A_238] : memref<2000000xf32, #tpu.memory_space<hbm>> -> memref<8192xf32, #tpu.memory_space<hbm>>
      tpu.wait_dma2 semaphore(%arg21 : memref<!tpu.dma_semaphore, #tpu.memory_space<semaphore_mem>>) src(%dma_wait3A_240 : memref<8192xf32, #tpu.memory_space<hbm>>) dst(%arg10 : memref<8192xf32, #tpu.memory_space<vmem>>)
      %mul3A_241 = arith.constant 65536 : i32
      %mul3A_242 = arith.muli %add3A, %mul3A_241 : i32
      %add3A_243 = arith.constant 32768 : i32
      %add3A_244 = arith.addi %mul3A_242, %add3A_243 : i32
      %multiple_of3A_245 = tpu.assume_multiple %add3A_244, 8192 : i32
      %dma_wait3A_246 = tpu.memref_slice %arg4[%multiple_of3A_245] : memref<2000000xi32, #tpu.memory_space<hbm>> -> memref<8192xi32, #tpu.memory_space<hbm>>
      %dma_wait3A_247 = tpu.memref_slice %arg4[%multiple_of3A_245] : memref<2000000xi32, #tpu.memory_space<hbm>> -> memref<8192xi32, #tpu.memory_space<hbm>>
      tpu.wait_dma2 semaphore(%arg21 : memref<!tpu.dma_semaphore, #tpu.memory_space<semaphore_mem>>) src(%dma_wait3A_247 : memref<8192xi32, #tpu.memory_space<hbm>>) dst(%arg12 : memref<8192xi32, #tpu.memory_space<vmem>>)
      %mul3A_248 = arith.constant 65536 : i32
      %mul3A_249 = arith.muli %add3A, %mul3A_248 : i32
      %add3A_250 = arith.constant 16384 : i32
      %add3A_251 = arith.addi %mul3A_249, %add3A_250 : i32
      %multiple_of3A_252 = tpu.assume_multiple %add3A_251, 8192 : i32
      %dma_wait3A_253 = tpu.memref_slice %arg7[%multiple_of3A_252] : memref<2000000xf32, #tpu.memory_space<hbm>> -> memref<8192xf32, #tpu.memory_space<hbm>>
      %dma_wait3A_254 = tpu.memref_slice %arg7[%multiple_of3A_252] : memref<2000000xf32, #tpu.memory_space<hbm>> -> memref<8192xf32, #tpu.memory_space<hbm>>
      tpu.wait_dma2 semaphore(%arg25 : memref<!tpu.dma_semaphore, #tpu.memory_space<semaphore_mem>>) src(%dma_wait3A_254 : memref<8192xf32, #tpu.memory_space<hbm>>) dst(%arg16 : memref<8192xf32, #tpu.memory_space<vmem>>)
      %mul3A_255 = arith.constant 65536 : i32
      %mul3A_256 = arith.muli %add3A, %mul3A_255 : i32
      %add3A_257 = arith.constant 32768 : i32
      %add3A_258 = arith.addi %mul3A_256, %add3A_257 : i32
      %multiple_of3A_259 = tpu.assume_multiple %add3A_258, 8192 : i32
      %dma_start3A = tpu.memref_slice %arg7[%multiple_of3A_259] : memref<2000000xf32, #tpu.memory_space<hbm>> -> memref<8192xf32, #tpu.memory_space<hbm>>
      %dma_start3A_260 = tpu.memref_slice %arg7[%multiple_of3A_259] : memref<2000000xf32, #tpu.memory_space<hbm>> -> memref<8192xf32, #tpu.memory_space<hbm>>
      tpu.enqueue_dma source(%arg16 : memref<8192xf32, #tpu.memory_space<vmem>>) target(%dma_start3A_260 : memref<8192xf32, #tpu.memory_space<hbm>>) target_semaphore(%arg25 : memref<!tpu.dma_semaphore, #tpu.memory_space<semaphore_mem>>)
    } else {
    }
    %gt3A_112 = arith.constant 6 : i32
    %gt3A_113 = arith.cmpi sgt, %select_n3A_5, %gt3A_112 : i32
    %convert_element_type3A_114 = arith.extui %gt3A_113 : i1 to i32
    %cond3A_115 = arith.constant 0 : i32
    %cond3A_116 = arith.cmpi ne, %convert_element_type3A_114, %cond3A_115 : i32
    scf.if %cond3A_116 {
      %mul3A_229 = arith.constant 65536 : i32
      %mul3A_230 = arith.muli %add3A, %mul3A_229 : i32
      %add3A_231 = arith.constant 49152 : i32
      %add3A_232 = arith.addi %mul3A_230, %add3A_231 : i32
      %multiple_of3A = tpu.assume_multiple %add3A_232, 8192 : i32
      %dma_start3A = tpu.memref_slice %arg2[%multiple_of3A] : memref<2000000xi32, #tpu.memory_space<hbm>> -> memref<8192xi32, #tpu.memory_space<hbm>>
      %dma_start3A_233 = tpu.memref_slice %arg2[%multiple_of3A] : memref<2000000xi32, #tpu.memory_space<hbm>> -> memref<8192xi32, #tpu.memory_space<hbm>>
      tpu.enqueue_dma source(%dma_start3A_233 : memref<8192xi32, #tpu.memory_space<hbm>>) target(%arg8 : memref<8192xi32, #tpu.memory_space<vmem>>) target_semaphore(%arg19 : memref<!tpu.dma_semaphore, #tpu.memory_space<semaphore_mem>>)
      %mul3A_234 = arith.constant 65536 : i32
      %mul3A_235 = arith.muli %add3A, %mul3A_234 : i32
      %add3A_236 = arith.constant 49152 : i32
      %add3A_237 = arith.addi %mul3A_235, %add3A_236 : i32
      %multiple_of3A_238 = tpu.assume_multiple %add3A_237, 8192 : i32
      %dma_start3A_239 = tpu.memref_slice %arg3[%multiple_of3A_238] : memref<2000000xf32, #tpu.memory_space<hbm>> -> memref<8192xf32, #tpu.memory_space<hbm>>
      %dma_start3A_240 = tpu.memref_slice %arg3[%multiple_of3A_238] : memref<2000000xf32, #tpu.memory_space<hbm>> -> memref<8192xf32, #tpu.memory_space<hbm>>
      tpu.enqueue_dma source(%dma_start3A_240 : memref<8192xf32, #tpu.memory_space<hbm>>) target(%arg10 : memref<8192xf32, #tpu.memory_space<vmem>>) target_semaphore(%arg21 : memref<!tpu.dma_semaphore, #tpu.memory_space<semaphore_mem>>)
      %mul3A_241 = arith.constant 65536 : i32
      %mul3A_242 = arith.muli %add3A, %mul3A_241 : i32
      %add3A_243 = arith.constant 49152 : i32
      %add3A_244 = arith.addi %mul3A_242, %add3A_243 : i32
      %multiple_of3A_245 = tpu.assume_multiple %add3A_244, 8192 : i32
      %dma_start3A_246 = tpu.memref_slice %arg4[%multiple_of3A_245] : memref<2000000xi32, #tpu.memory_space<hbm>> -> memref<8192xi32, #tpu.memory_space<hbm>>
      %dma_start3A_247 = tpu.memref_slice %arg4[%multiple_of3A_245] : memref<2000000xi32, #tpu.memory_space<hbm>> -> memref<8192xi32, #tpu.memory_space<hbm>>
      tpu.enqueue_dma source(%dma_start3A_247 : memref<8192xi32, #tpu.memory_space<hbm>>) target(%arg12 : memref<8192xi32, #tpu.memory_space<vmem>>) target_semaphore(%arg21 : memref<!tpu.dma_semaphore, #tpu.memory_space<semaphore_mem>>)
    } else {
    }
    %gt3A_117 = arith.constant 5 : i32
    %gt3A_118 = arith.cmpi sgt, %select_n3A_5, %gt3A_117 : i32
    %convert_element_type3A_119 = arith.extui %gt3A_118 : i1 to i32
    %cond3A_120 = arith.constant 0 : i32
    %cond3A_121 = arith.cmpi ne, %convert_element_type3A_119, %cond3A_120 : i32
    scf.if %cond3A_121 {
    } else {
    }
    %gt3A_122 = arith.constant 6 : i32
    %gt3A_123 = arith.cmpi sgt, %select_n3A_5, %gt3A_122 : i32
    %convert_element_type3A_124 = arith.extui %gt3A_123 : i1 to i32
    %cond3A_125 = arith.constant 0 : i32
    %cond3A_126 = arith.cmpi ne, %convert_element_type3A_124, %cond3A_125 : i32
    scf.if %cond3A_126 {
      %mul3A_229 = arith.constant 65536 : i32
      %mul3A_230 = arith.muli %add3A, %mul3A_229 : i32
      %add3A_231 = arith.constant 49152 : i32
      %add3A_232 = arith.addi %mul3A_230, %add3A_231 : i32
      %multiple_of3A = tpu.assume_multiple %add3A_232, 8192 : i32
      %dma_wait3A = tpu.memref_slice %arg2[%multiple_of3A] : memref<2000000xi32, #tpu.memory_space<hbm>> -> memref<8192xi32, #tpu.memory_space<hbm>>
      %dma_wait3A_233 = tpu.memref_slice %arg2[%multiple_of3A] : memref<2000000xi32, #tpu.memory_space<hbm>> -> memref<8192xi32, #tpu.memory_space<hbm>>
      tpu.wait_dma2 semaphore(%arg19 : memref<!tpu.dma_semaphore, #tpu.memory_space<semaphore_mem>>) src(%dma_wait3A_233 : memref<8192xi32, #tpu.memory_space<hbm>>) dst(%arg8 : memref<8192xi32, #tpu.memory_space<vmem>>)
      %dma_start3A = arith.constant 0 : i32
      %dma_start3A_234 = tpu.memref_slice %arg5[%dma_start3A] : memref<6400000xf32, #tpu.memory_space<hbm>> -> memref<6400000xf32, #tpu.memory_space<hbm>>
      tpu.enqueue_indirect_dma source(%dma_start3A_234 : memref<6400000xf32, #tpu.memory_space<hbm>>) target(%arg14 : memref<8192xf32, #tpu.memory_space<vmem>>) offsets(%arg8 : memref<8192xi32, #tpu.memory_space<vmem>>) semaphore(%arg23 : memref<!tpu.dma_semaphore, #tpu.memory_space<semaphore_mem>>)
    } else {
    }
    %gt3A_127 = arith.constant 5 : i32
    %gt3A_128 = arith.cmpi sgt, %select_n3A_5, %gt3A_127 : i32
    %convert_element_type3A_129 = arith.extui %gt3A_128 : i1 to i32
    %cond3A_130 = arith.constant 0 : i32
    %cond3A_131 = arith.cmpi ne, %convert_element_type3A_129, %cond3A_130 : i32
    scf.if %cond3A_131 {
      %mul3A_229 = arith.constant 65536 : i32
      %mul3A_230 = arith.muli %add3A, %mul3A_229 : i32
      %add3A_231 = arith.constant 40960 : i32
      %add3A_232 = arith.addi %mul3A_230, %add3A_231 : i32
      %multiple_of3A = tpu.assume_multiple %add3A_232, 8192 : i32
      %dma_wait3A = tpu.memref_slice %arg3[%multiple_of3A] : memref<2000000xf32, #tpu.memory_space<hbm>> -> memref<8192xf32, #tpu.memory_space<hbm>>
      %dma_wait3A_233 = tpu.memref_slice %arg3[%multiple_of3A] : memref<2000000xf32, #tpu.memory_space<hbm>> -> memref<8192xf32, #tpu.memory_space<hbm>>
      tpu.wait_dma2 semaphore(%arg24 : memref<!tpu.dma_semaphore, #tpu.memory_space<semaphore_mem>>) src(%dma_wait3A_233 : memref<8192xf32, #tpu.memory_space<hbm>>) dst(%arg15 : memref<8192xf32, #tpu.memory_space<vmem>>)
      %mul3A_234 = arith.constant 65536 : i32
      %mul3A_235 = arith.muli %add3A, %mul3A_234 : i32
      %add3A_236 = arith.constant 40960 : i32
      %add3A_237 = arith.addi %mul3A_235, %add3A_236 : i32
      %multiple_of3A_238 = tpu.assume_multiple %add3A_237, 8192 : i32
      %dma_wait3A_239 = tpu.memref_slice %arg3[%multiple_of3A_238] : memref<2000000xf32, #tpu.memory_space<hbm>> -> memref<8192xf32, #tpu.memory_space<hbm>>
      %dma_wait3A_240 = tpu.memref_slice %arg3[%multiple_of3A_238] : memref<2000000xf32, #tpu.memory_space<hbm>> -> memref<8192xf32, #tpu.memory_space<hbm>>
      tpu.wait_dma2 semaphore(%arg22 : memref<!tpu.dma_semaphore, #tpu.memory_space<semaphore_mem>>) src(%dma_wait3A_240 : memref<8192xf32, #tpu.memory_space<hbm>>) dst(%arg11 : memref<8192xf32, #tpu.memory_space<vmem>>)
      %mul3A_241 = arith.constant 65536 : i32
      %mul3A_242 = arith.muli %add3A, %mul3A_241 : i32
      %add3A_243 = arith.constant 40960 : i32
      %add3A_244 = arith.addi %mul3A_242, %add3A_243 : i32
      %multiple_of3A_245 = tpu.assume_multiple %add3A_244, 8192 : i32
      %dma_wait3A_246 = tpu.memref_slice %arg4[%multiple_of3A_245] : memref<2000000xi32, #tpu.memory_space<hbm>> -> memref<8192xi32, #tpu.memory_space<hbm>>
      %dma_wait3A_247 = tpu.memref_slice %arg4[%multiple_of3A_245] : memref<2000000xi32, #tpu.memory_space<hbm>> -> memref<8192xi32, #tpu.memory_space<hbm>>
      tpu.wait_dma2 semaphore(%arg22 : memref<!tpu.dma_semaphore, #tpu.memory_space<semaphore_mem>>) src(%dma_wait3A_247 : memref<8192xi32, #tpu.memory_space<hbm>>) dst(%arg13 : memref<8192xi32, #tpu.memory_space<vmem>>)
      %mul3A_248 = arith.constant 65536 : i32
      %mul3A_249 = arith.muli %add3A, %mul3A_248 : i32
      %add3A_250 = arith.constant 24576 : i32
      %add3A_251 = arith.addi %mul3A_249, %add3A_250 : i32
      %multiple_of3A_252 = tpu.assume_multiple %add3A_251, 8192 : i32
      %dma_wait3A_253 = tpu.memref_slice %arg7[%multiple_of3A_252] : memref<2000000xf32, #tpu.memory_space<hbm>> -> memref<8192xf32, #tpu.memory_space<hbm>>
      %dma_wait3A_254 = tpu.memref_slice %arg7[%multiple_of3A_252] : memref<2000000xf32, #tpu.memory_space<hbm>> -> memref<8192xf32, #tpu.memory_space<hbm>>
      tpu.wait_dma2 semaphore(%arg26 : memref<!tpu.dma_semaphore, #tpu.memory_space<semaphore_mem>>) src(%dma_wait3A_254 : memref<8192xf32, #tpu.memory_space<hbm>>) dst(%arg17 : memref<8192xf32, #tpu.memory_space<vmem>>)
      %mul3A_255 = arith.constant 65536 : i32
      %mul3A_256 = arith.muli %add3A, %mul3A_255 : i32
      %add3A_257 = arith.constant 40960 : i32
      %add3A_258 = arith.addi %mul3A_256, %add3A_257 : i32
      %multiple_of3A_259 = tpu.assume_multiple %add3A_258, 8192 : i32
      %dma_start3A = tpu.memref_slice %arg7[%multiple_of3A_259] : memref<2000000xf32, #tpu.memory_space<hbm>> -> memref<8192xf32, #tpu.memory_space<hbm>>
      %dma_start3A_260 = tpu.memref_slice %arg7[%multiple_of3A_259] : memref<2000000xf32, #tpu.memory_space<hbm>> -> memref<8192xf32, #tpu.memory_space<hbm>>
      tpu.enqueue_dma source(%arg17 : memref<8192xf32, #tpu.memory_space<vmem>>) target(%dma_start3A_260 : memref<8192xf32, #tpu.memory_space<hbm>>) target_semaphore(%arg26 : memref<!tpu.dma_semaphore, #tpu.memory_space<semaphore_mem>>)
    } else {
    }
    %gt3A_132 = arith.constant 7 : i32
    %gt3A_133 = arith.cmpi sgt, %select_n3A_5, %gt3A_132 : i32
    %convert_element_type3A_134 = arith.extui %gt3A_133 : i1 to i32
    %cond3A_135 = arith.constant 0 : i32
    %cond3A_136 = arith.cmpi ne, %convert_element_type3A_134, %cond3A_135 : i32
    scf.if %cond3A_136 {
      %mul3A_229 = arith.constant 65536 : i32
      %mul3A_230 = arith.muli %add3A, %mul3A_229 : i32
      %add3A_231 = arith.constant 57344 : i32
      %add3A_232 = arith.addi %mul3A_230, %add3A_231 : i32
      %multiple_of3A = tpu.assume_multiple %add3A_232, 8192 : i32
      %dma_start3A = tpu.memref_slice %arg2[%multiple_of3A] : memref<2000000xi32, #tpu.memory_space<hbm>> -> memref<8192xi32, #tpu.memory_space<hbm>>
      %dma_start3A_233 = tpu.memref_slice %arg2[%multiple_of3A] : memref<2000000xi32, #tpu.memory_space<hbm>> -> memref<8192xi32, #tpu.memory_space<hbm>>
      tpu.enqueue_dma source(%dma_start3A_233 : memref<8192xi32, #tpu.memory_space<hbm>>) target(%arg9 : memref<8192xi32, #tpu.memory_space<vmem>>) target_semaphore(%arg20 : memref<!tpu.dma_semaphore, #tpu.memory_space<semaphore_mem>>)
      %mul3A_234 = arith.constant 65536 : i32
      %mul3A_235 = arith.muli %add3A, %mul3A_234 : i32
      %add3A_236 = arith.constant 57344 : i32
      %add3A_237 = arith.addi %mul3A_235, %add3A_236 : i32
      %multiple_of3A_238 = tpu.assume_multiple %add3A_237, 8192 : i32
      %dma_start3A_239 = tpu.memref_slice %arg3[%multiple_of3A_238] : memref<2000000xf32, #tpu.memory_space<hbm>> -> memref<8192xf32, #tpu.memory_space<hbm>>
      %dma_start3A_240 = tpu.memref_slice %arg3[%multiple_of3A_238] : memref<2000000xf32, #tpu.memory_space<hbm>> -> memref<8192xf32, #tpu.memory_space<hbm>>
      tpu.enqueue_dma source(%dma_start3A_240 : memref<8192xf32, #tpu.memory_space<hbm>>) target(%arg11 : memref<8192xf32, #tpu.memory_space<vmem>>) target_semaphore(%arg22 : memref<!tpu.dma_semaphore, #tpu.memory_space<semaphore_mem>>)
      %mul3A_241 = arith.constant 65536 : i32
      %mul3A_242 = arith.muli %add3A, %mul3A_241 : i32
      %add3A_243 = arith.constant 57344 : i32
      %add3A_244 = arith.addi %mul3A_242, %add3A_243 : i32
      %multiple_of3A_245 = tpu.assume_multiple %add3A_244, 8192 : i32
      %dma_start3A_246 = tpu.memref_slice %arg4[%multiple_of3A_245] : memref<2000000xi32, #tpu.memory_space<hbm>> -> memref<8192xi32, #tpu.memory_space<hbm>>
      %dma_start3A_247 = tpu.memref_slice %arg4[%multiple_of3A_245] : memref<2000000xi32, #tpu.memory_space<hbm>> -> memref<8192xi32, #tpu.memory_space<hbm>>
      tpu.enqueue_dma source(%dma_start3A_247 : memref<8192xi32, #tpu.memory_space<hbm>>) target(%arg13 : memref<8192xi32, #tpu.memory_space<vmem>>) target_semaphore(%arg22 : memref<!tpu.dma_semaphore, #tpu.memory_space<semaphore_mem>>)
    } else {
    }
    %gt3A_137 = arith.constant 6 : i32
    %gt3A_138 = arith.cmpi sgt, %select_n3A_5, %gt3A_137 : i32
    %convert_element_type3A_139 = arith.extui %gt3A_138 : i1 to i32
    %cond3A_140 = arith.constant 0 : i32
    %cond3A_141 = arith.cmpi ne, %convert_element_type3A_139, %cond3A_140 : i32
    scf.if %cond3A_141 {
    } else {
    }
    %gt3A_142 = arith.constant 7 : i32
    %gt3A_143 = arith.cmpi sgt, %select_n3A_5, %gt3A_142 : i32
    %convert_element_type3A_144 = arith.extui %gt3A_143 : i1 to i32
    %cond3A_145 = arith.constant 0 : i32
    %cond3A_146 = arith.cmpi ne, %convert_element_type3A_144, %cond3A_145 : i32
    scf.if %cond3A_146 {
      %mul3A_229 = arith.constant 65536 : i32
      %mul3A_230 = arith.muli %add3A, %mul3A_229 : i32
      %add3A_231 = arith.constant 57344 : i32
      %add3A_232 = arith.addi %mul3A_230, %add3A_231 : i32
      %multiple_of3A = tpu.assume_multiple %add3A_232, 8192 : i32
      %dma_wait3A = tpu.memref_slice %arg2[%multiple_of3A] : memref<2000000xi32, #tpu.memory_space<hbm>> -> memref<8192xi32, #tpu.memory_space<hbm>>
      %dma_wait3A_233 = tpu.memref_slice %arg2[%multiple_of3A] : memref<2000000xi32, #tpu.memory_space<hbm>> -> memref<8192xi32, #tpu.memory_space<hbm>>
      tpu.wait_dma2 semaphore(%arg20 : memref<!tpu.dma_semaphore, #tpu.memory_space<semaphore_mem>>) src(%dma_wait3A_233 : memref<8192xi32, #tpu.memory_space<hbm>>) dst(%arg9 : memref<8192xi32, #tpu.memory_space<vmem>>)
      %dma_start3A = arith.constant 0 : i32
      %dma_start3A_234 = tpu.memref_slice %arg5[%dma_start3A] : memref<6400000xf32, #tpu.memory_space<hbm>> -> memref<6400000xf32, #tpu.memory_space<hbm>>
      tpu.enqueue_indirect_dma source(%dma_start3A_234 : memref<6400000xf32, #tpu.memory_space<hbm>>) target(%arg15 : memref<8192xf32, #tpu.memory_space<vmem>>) offsets(%arg9 : memref<8192xi32, #tpu.memory_space<vmem>>) semaphore(%arg24 : memref<!tpu.dma_semaphore, #tpu.memory_space<semaphore_mem>>)
    } else {
    }
    %gt3A_147 = arith.constant 6 : i32
    %gt3A_148 = arith.cmpi sgt, %select_n3A_5, %gt3A_147 : i32
    %convert_element_type3A_149 = arith.extui %gt3A_148 : i1 to i32
    %cond3A_150 = arith.constant 0 : i32
    %cond3A_151 = arith.cmpi ne, %convert_element_type3A_149, %cond3A_150 : i32
    scf.if %cond3A_151 {
      %mul3A_229 = arith.constant 65536 : i32
      %mul3A_230 = arith.muli %add3A, %mul3A_229 : i32
      %add3A_231 = arith.constant 49152 : i32
      %add3A_232 = arith.addi %mul3A_230, %add3A_231 : i32
      %multiple_of3A = tpu.assume_multiple %add3A_232, 8192 : i32
      %dma_wait3A = tpu.memref_slice %arg3[%multiple_of3A] : memref<2000000xf32, #tpu.memory_space<hbm>> -> memref<8192xf32, #tpu.memory_space<hbm>>
      %dma_wait3A_233 = tpu.memref_slice %arg3[%multiple_of3A] : memref<2000000xf32, #tpu.memory_space<hbm>> -> memref<8192xf32, #tpu.memory_space<hbm>>
      tpu.wait_dma2 semaphore(%arg23 : memref<!tpu.dma_semaphore, #tpu.memory_space<semaphore_mem>>) src(%dma_wait3A_233 : memref<8192xf32, #tpu.memory_space<hbm>>) dst(%arg14 : memref<8192xf32, #tpu.memory_space<vmem>>)
      %mul3A_234 = arith.constant 65536 : i32
      %mul3A_235 = arith.muli %add3A, %mul3A_234 : i32
      %add3A_236 = arith.constant 49152 : i32
      %add3A_237 = arith.addi %mul3A_235, %add3A_236 : i32
      %multiple_of3A_238 = tpu.assume_multiple %add3A_237, 8192 : i32
      %dma_wait3A_239 = tpu.memref_slice %arg3[%multiple_of3A_238] : memref<2000000xf32, #tpu.memory_space<hbm>> -> memref<8192xf32, #tpu.memory_space<hbm>>
      %dma_wait3A_240 = tpu.memref_slice %arg3[%multiple_of3A_238] : memref<2000000xf32, #tpu.memory_space<hbm>> -> memref<8192xf32, #tpu.memory_space<hbm>>
      tpu.wait_dma2 semaphore(%arg21 : memref<!tpu.dma_semaphore, #tpu.memory_space<semaphore_mem>>) src(%dma_wait3A_240 : memref<8192xf32, #tpu.memory_space<hbm>>) dst(%arg10 : memref<8192xf32, #tpu.memory_space<vmem>>)
      %mul3A_241 = arith.constant 65536 : i32
      %mul3A_242 = arith.muli %add3A, %mul3A_241 : i32
      %add3A_243 = arith.constant 49152 : i32
      %add3A_244 = arith.addi %mul3A_242, %add3A_243 : i32
      %multiple_of3A_245 = tpu.assume_multiple %add3A_244, 8192 : i32
      %dma_wait3A_246 = tpu.memref_slice %arg4[%multiple_of3A_245] : memref<2000000xi32, #tpu.memory_space<hbm>> -> memref<8192xi32, #tpu.memory_space<hbm>>
      %dma_wait3A_247 = tpu.memref_slice %arg4[%multiple_of3A_245] : memref<2000000xi32, #tpu.memory_space<hbm>> -> memref<8192xi32, #tpu.memory_space<hbm>>
      tpu.wait_dma2 semaphore(%arg21 : memref<!tpu.dma_semaphore, #tpu.memory_space<semaphore_mem>>) src(%dma_wait3A_247 : memref<8192xi32, #tpu.memory_space<hbm>>) dst(%arg12 : memref<8192xi32, #tpu.memory_space<vmem>>)
      %mul3A_248 = arith.constant 65536 : i32
      %mul3A_249 = arith.muli %add3A, %mul3A_248 : i32
      %add3A_250 = arith.constant 32768 : i32
      %add3A_251 = arith.addi %mul3A_249, %add3A_250 : i32
      %multiple_of3A_252 = tpu.assume_multiple %add3A_251, 8192 : i32
      %dma_wait3A_253 = tpu.memref_slice %arg7[%multiple_of3A_252] : memref<2000000xf32, #tpu.memory_space<hbm>> -> memref<8192xf32, #tpu.memory_space<hbm>>
      %dma_wait3A_254 = tpu.memref_slice %arg7[%multiple_of3A_252] : memref<2000000xf32, #tpu.memory_space<hbm>> -> memref<8192xf32, #tpu.memory_space<hbm>>
      tpu.wait_dma2 semaphore(%arg25 : memref<!tpu.dma_semaphore, #tpu.memory_space<semaphore_mem>>) src(%dma_wait3A_254 : memref<8192xf32, #tpu.memory_space<hbm>>) dst(%arg16 : memref<8192xf32, #tpu.memory_space<vmem>>)
      %mul3A_255 = arith.constant 65536 : i32
      %mul3A_256 = arith.muli %add3A, %mul3A_255 : i32
      %add3A_257 = arith.constant 49152 : i32
      %add3A_258 = arith.addi %mul3A_256, %add3A_257 : i32
      %multiple_of3A_259 = tpu.assume_multiple %add3A_258, 8192 : i32
      %dma_start3A = tpu.memref_slice %arg7[%multiple_of3A_259] : memref<2000000xf32, #tpu.memory_space<hbm>> -> memref<8192xf32, #tpu.memory_space<hbm>>
      %dma_start3A_260 = tpu.memref_slice %arg7[%multiple_of3A_259] : memref<2000000xf32, #tpu.memory_space<hbm>> -> memref<8192xf32, #tpu.memory_space<hbm>>
      tpu.enqueue_dma source(%arg16 : memref<8192xf32, #tpu.memory_space<vmem>>) target(%dma_start3A_260 : memref<8192xf32, #tpu.memory_space<hbm>>) target_semaphore(%arg25 : memref<!tpu.dma_semaphore, #tpu.memory_space<semaphore_mem>>)
    } else {
    }
    %gt3A_152 = arith.constant 7 : i32
    %gt3A_153 = arith.cmpi sgt, %select_n3A_5, %gt3A_152 : i32
    %convert_element_type3A_154 = arith.extui %gt3A_153 : i1 to i32
    %cond3A_155 = arith.constant 0 : i32
    %cond3A_156 = arith.cmpi ne, %convert_element_type3A_154, %cond3A_155 : i32
    scf.if %cond3A_156 {
    } else {
    }
    %gt3A_157 = arith.constant 7 : i32
    %gt3A_158 = arith.cmpi sgt, %select_n3A_5, %gt3A_157 : i32
    %convert_element_type3A_159 = arith.extui %gt3A_158 : i1 to i32
    %cond3A_160 = arith.constant 0 : i32
    %cond3A_161 = arith.cmpi ne, %convert_element_type3A_159, %cond3A_160 : i32
    scf.if %cond3A_161 {
      %mul3A_229 = arith.constant 65536 : i32
      %mul3A_230 = arith.muli %add3A, %mul3A_229 : i32
      %add3A_231 = arith.constant 57344 : i32
      %add3A_232 = arith.addi %mul3A_230, %add3A_231 : i32
      %multiple_of3A = tpu.assume_multiple %add3A_232, 8192 : i32
      %dma_wait3A = tpu.memref_slice %arg3[%multiple_of3A] : memref<2000000xf32, #tpu.memory_space<hbm>> -> memref<8192xf32, #tpu.memory_space<hbm>>
      %dma_wait3A_233 = tpu.memref_slice %arg3[%multiple_of3A] : memref<2000000xf32, #tpu.memory_space<hbm>> -> memref<8192xf32, #tpu.memory_space<hbm>>
      tpu.wait_dma2 semaphore(%arg24 : memref<!tpu.dma_semaphore, #tpu.memory_space<semaphore_mem>>) src(%dma_wait3A_233 : memref<8192xf32, #tpu.memory_space<hbm>>) dst(%arg15 : memref<8192xf32, #tpu.memory_space<vmem>>)
      %mul3A_234 = arith.constant 65536 : i32
      %mul3A_235 = arith.muli %add3A, %mul3A_234 : i32
      %add3A_236 = arith.constant 57344 : i32
      %add3A_237 = arith.addi %mul3A_235, %add3A_236 : i32
      %multiple_of3A_238 = tpu.assume_multiple %add3A_237, 8192 : i32
      %dma_wait3A_239 = tpu.memref_slice %arg3[%multiple_of3A_238] : memref<2000000xf32, #tpu.memory_space<hbm>> -> memref<8192xf32, #tpu.memory_space<hbm>>
      %dma_wait3A_240 = tpu.memref_slice %arg3[%multiple_of3A_238] : memref<2000000xf32, #tpu.memory_space<hbm>> -> memref<8192xf32, #tpu.memory_space<hbm>>
      tpu.wait_dma2 semaphore(%arg22 : memref<!tpu.dma_semaphore, #tpu.memory_space<semaphore_mem>>) src(%dma_wait3A_240 : memref<8192xf32, #tpu.memory_space<hbm>>) dst(%arg11 : memref<8192xf32, #tpu.memory_space<vmem>>)
      %mul3A_241 = arith.constant 65536 : i32
      %mul3A_242 = arith.muli %add3A, %mul3A_241 : i32
      %add3A_243 = arith.constant 57344 : i32
      %add3A_244 = arith.addi %mul3A_242, %add3A_243 : i32
      %multiple_of3A_245 = tpu.assume_multiple %add3A_244, 8192 : i32
      %dma_wait3A_246 = tpu.memref_slice %arg4[%multiple_of3A_245] : memref<2000000xi32, #tpu.memory_space<hbm>> -> memref<8192xi32, #tpu.memory_space<hbm>>
      %dma_wait3A_247 = tpu.memref_slice %arg4[%multiple_of3A_245] : memref<2000000xi32, #tpu.memory_space<hbm>> -> memref<8192xi32, #tpu.memory_space<hbm>>
      tpu.wait_dma2 semaphore(%arg22 : memref<!tpu.dma_semaphore, #tpu.memory_space<semaphore_mem>>) src(%dma_wait3A_247 : memref<8192xi32, #tpu.memory_space<hbm>>) dst(%arg13 : memref<8192xi32, #tpu.memory_space<vmem>>)
      %mul3A_248 = arith.constant 65536 : i32
      %mul3A_249 = arith.muli %add3A, %mul3A_248 : i32
      %add3A_250 = arith.constant 40960 : i32
      %add3A_251 = arith.addi %mul3A_249, %add3A_250 : i32
      %multiple_of3A_252 = tpu.assume_multiple %add3A_251, 8192 : i32
      %dma_wait3A_253 = tpu.memref_slice %arg7[%multiple_of3A_252] : memref<2000000xf32, #tpu.memory_space<hbm>> -> memref<8192xf32, #tpu.memory_space<hbm>>
      %dma_wait3A_254 = tpu.memref_slice %arg7[%multiple_of3A_252] : memref<2000000xf32, #tpu.memory_space<hbm>> -> memref<8192xf32, #tpu.memory_space<hbm>>
      tpu.wait_dma2 semaphore(%arg26 : memref<!tpu.dma_semaphore, #tpu.memory_space<semaphore_mem>>) src(%dma_wait3A_254 : memref<8192xf32, #tpu.memory_space<hbm>>) dst(%arg17 : memref<8192xf32, #tpu.memory_space<vmem>>)
      %mul3A_255 = arith.constant 65536 : i32
      %mul3A_256 = arith.muli %add3A, %mul3A_255 : i32
      %add3A_257 = arith.constant 57344 : i32
      %add3A_258 = arith.addi %mul3A_256, %add3A_257 : i32
      %multiple_of3A_259 = tpu.assume_multiple %add3A_258, 8192 : i32
      %dma_start3A = tpu.memref_slice %arg7[%multiple_of3A_259] : memref<2000000xf32, #tpu.memory_space<hbm>> -> memref<8192xf32, #tpu.memory_space<hbm>>
      %dma_start3A_260 = tpu.memref_slice %arg7[%multiple_of3A_259] : memref<2000000xf32, #tpu.memory_space<hbm>> -> memref<8192xf32, #tpu.memory_space<hbm>>
      tpu.enqueue_dma source(%arg17 : memref<8192xf32, #tpu.memory_space<vmem>>) target(%dma_start3A_260 : memref<8192xf32, #tpu.memory_space<hbm>>) target_semaphore(%arg26 : memref<!tpu.dma_semaphore, #tpu.memory_space<semaphore_mem>>)
    } else {
    }
    %le3A = arith.constant 2 : i32
    %le3A_162 = arith.cmpi sle, %select_n3A_5, %le3A : i32
    %gt3A_163 = arith.constant 0 : i32
    %gt3A_164 = arith.cmpi sgt, %select_n3A_5, %gt3A_163 : i32
    %and3A = arith.andi %le3A_162, %gt3A_164 : i1
    %convert_element_type3A_165 = arith.extui %and3A : i1 to i32
    %cond3A_166 = arith.constant 0 : i32
    %cond3A_167 = arith.cmpi ne, %convert_element_type3A_165, %cond3A_166 : i32
    scf.if %cond3A_167 {
      %mul3A_229 = arith.constant 65536 : i32
      %mul3A_230 = arith.muli %add3A, %mul3A_229 : i32
      %add3A_231 = arith.constant 0 : i32
      %add3A_232 = arith.addi %mul3A_230, %add3A_231 : i32
      %multiple_of3A = tpu.assume_multiple %add3A_232, 8192 : i32
      %dma_wait3A = tpu.memref_slice %arg7[%multiple_of3A] : memref<2000000xf32, #tpu.memory_space<hbm>> -> memref<8192xf32, #tpu.memory_space<hbm>>
      %dma_wait3A_233 = tpu.memref_slice %arg7[%multiple_of3A] : memref<2000000xf32, #tpu.memory_space<hbm>> -> memref<8192xf32, #tpu.memory_space<hbm>>
      tpu.wait_dma2 semaphore(%arg25 : memref<!tpu.dma_semaphore, #tpu.memory_space<semaphore_mem>>) src(%dma_wait3A_233 : memref<8192xf32, #tpu.memory_space<hbm>>) dst(%arg16 : memref<8192xf32, #tpu.memory_space<vmem>>)
    } else {
    }
    %le3A_168 = arith.constant 3 : i32
    %le3A_169 = arith.cmpi sle, %select_n3A_5, %le3A_168 : i32
    %gt3A_170 = arith.constant 1 : i32
    %gt3A_171 = arith.cmpi sgt, %select_n3A_5, %gt3A_170 : i32
    %and3A_172 = arith.andi %le3A_169, %gt3A_171 : i1
    %convert_element_type3A_173 = arith.extui %and3A_172 : i1 to i32
    %cond3A_174 = arith.constant 0 : i32
    %cond3A_175 = arith.cmpi ne, %convert_element_type3A_173, %cond3A_174 : i32
    scf.if %cond3A_175 {
      %mul3A_229 = arith.constant 65536 : i32
      %mul3A_230 = arith.muli %add3A, %mul3A_229 : i32
      %add3A_231 = arith.constant 8192 : i32
      %add3A_232 = arith.addi %mul3A_230, %add3A_231 : i32
      %multiple_of3A = tpu.assume_multiple %add3A_232, 8192 : i32
      %dma_wait3A = tpu.memref_slice %arg7[%multiple_of3A] : memref<2000000xf32, #tpu.memory_space<hbm>> -> memref<8192xf32, #tpu.memory_space<hbm>>
      %dma_wait3A_233 = tpu.memref_slice %arg7[%multiple_of3A] : memref<2000000xf32, #tpu.memory_space<hbm>> -> memref<8192xf32, #tpu.memory_space<hbm>>
      tpu.wait_dma2 semaphore(%arg26 : memref<!tpu.dma_semaphore, #tpu.memory_space<semaphore_mem>>) src(%dma_wait3A_233 : memref<8192xf32, #tpu.memory_space<hbm>>) dst(%arg17 : memref<8192xf32, #tpu.memory_space<vmem>>)
    } else {
    }
    %le3A_176 = arith.constant 4 : i32
    %le3A_177 = arith.cmpi sle, %select_n3A_5, %le3A_176 : i32
    %gt3A_178 = arith.constant 2 : i32
    %gt3A_179 = arith.cmpi sgt, %select_n3A_5, %gt3A_178 : i32
    %and3A_180 = arith.andi %le3A_177, %gt3A_179 : i1
    %convert_element_type3A_181 = arith.extui %and3A_180 : i1 to i32
    %cond3A_182 = arith.constant 0 : i32
    %cond3A_183 = arith.cmpi ne, %convert_element_type3A_181, %cond3A_182 : i32
    scf.if %cond3A_183 {
      %mul3A_229 = arith.constant 65536 : i32
      %mul3A_230 = arith.muli %add3A, %mul3A_229 : i32
      %add3A_231 = arith.constant 16384 : i32
      %add3A_232 = arith.addi %mul3A_230, %add3A_231 : i32
      %multiple_of3A = tpu.assume_multiple %add3A_232, 8192 : i32
      %dma_wait3A = tpu.memref_slice %arg7[%multiple_of3A] : memref<2000000xf32, #tpu.memory_space<hbm>> -> memref<8192xf32, #tpu.memory_space<hbm>>
      %dma_wait3A_233 = tpu.memref_slice %arg7[%multiple_of3A] : memref<2000000xf32, #tpu.memory_space<hbm>> -> memref<8192xf32, #tpu.memory_space<hbm>>
      tpu.wait_dma2 semaphore(%arg25 : memref<!tpu.dma_semaphore, #tpu.memory_space<semaphore_mem>>) src(%dma_wait3A_233 : memref<8192xf32, #tpu.memory_space<hbm>>) dst(%arg16 : memref<8192xf32, #tpu.memory_space<vmem>>)
    } else {
    }
    %le3A_184 = arith.constant 5 : i32
    %le3A_185 = arith.cmpi sle, %select_n3A_5, %le3A_184 : i32
    %gt3A_186 = arith.constant 3 : i32
    %gt3A_187 = arith.cmpi sgt, %select_n3A_5, %gt3A_186 : i32
    %and3A_188 = arith.andi %le3A_185, %gt3A_187 : i1
    %convert_element_type3A_189 = arith.extui %and3A_188 : i1 to i32
    %cond3A_190 = arith.constant 0 : i32
    %cond3A_191 = arith.cmpi ne, %convert_element_type3A_189, %cond3A_190 : i32
    scf.if %cond3A_191 {
      %mul3A_229 = arith.constant 65536 : i32
      %mul3A_230 = arith.muli %add3A, %mul3A_229 : i32
      %add3A_231 = arith.constant 24576 : i32
      %add3A_232 = arith.addi %mul3A_230, %add3A_231 : i32
      %multiple_of3A = tpu.assume_multiple %add3A_232, 8192 : i32
      %dma_wait3A = tpu.memref_slice %arg7[%multiple_of3A] : memref<2000000xf32, #tpu.memory_space<hbm>> -> memref<8192xf32, #tpu.memory_space<hbm>>
      %dma_wait3A_233 = tpu.memref_slice %arg7[%multiple_of3A] : memref<2000000xf32, #tpu.memory_space<hbm>> -> memref<8192xf32, #tpu.memory_space<hbm>>
      tpu.wait_dma2 semaphore(%arg26 : memref<!tpu.dma_semaphore, #tpu.memory_space<semaphore_mem>>) src(%dma_wait3A_233 : memref<8192xf32, #tpu.memory_space<hbm>>) dst(%arg17 : memref<8192xf32, #tpu.memory_space<vmem>>)
    } else {
    }
    %le3A_192 = arith.constant 6 : i32
    %le3A_193 = arith.cmpi sle, %select_n3A_5, %le3A_192 : i32
    %gt3A_194 = arith.constant 4 : i32
    %gt3A_195 = arith.cmpi sgt, %select_n3A_5, %gt3A_194 : i32
    %and3A_196 = arith.andi %le3A_193, %gt3A_195 : i1
    %convert_element_type3A_197 = arith.extui %and3A_196 : i1 to i32
    %cond3A_198 = arith.constant 0 : i32
    %cond3A_199 = arith.cmpi ne, %convert_element_type3A_197, %cond3A_198 : i32
    scf.if %cond3A_199 {
      %mul3A_229 = arith.constant 65536 : i32
      %mul3A_230 = arith.muli %add3A, %mul3A_229 : i32
      %add3A_231 = arith.constant 32768 : i32
      %add3A_232 = arith.addi %mul3A_230, %add3A_231 : i32
      %multiple_of3A = tpu.assume_multiple %add3A_232, 8192 : i32
      %dma_wait3A = tpu.memref_slice %arg7[%multiple_of3A] : memref<2000000xf32, #tpu.memory_space<hbm>> -> memref<8192xf32, #tpu.memory_space<hbm>>
      %dma_wait3A_233 = tpu.memref_slice %arg7[%multiple_of3A] : memref<2000000xf32, #tpu.memory_space<hbm>> -> memref<8192xf32, #tpu.memory_space<hbm>>
      tpu.wait_dma2 semaphore(%arg25 : memref<!tpu.dma_semaphore, #tpu.memory_space<semaphore_mem>>) src(%dma_wait3A_233 : memref<8192xf32, #tpu.memory_space<hbm>>) dst(%arg16 : memref<8192xf32, #tpu.memory_space<vmem>>)
    } else {
    }
    %le3A_200 = arith.constant 7 : i32
    %le3A_201 = arith.cmpi sle, %select_n3A_5, %le3A_200 : i32
    %gt3A_202 = arith.constant 5 : i32
    %gt3A_203 = arith.cmpi sgt, %select_n3A_5, %gt3A_202 : i32
    %and3A_204 = arith.andi %le3A_201, %gt3A_203 : i1
    %convert_element_type3A_205 = arith.extui %and3A_204 : i1 to i32
    %cond3A_206 = arith.constant 0 : i32
    %cond3A_207 = arith.cmpi ne, %convert_element_type3A_205, %cond3A_206 : i32
    scf.if %cond3A_207 {
      %mul3A_229 = arith.constant 65536 : i32
      %mul3A_230 = arith.muli %add3A, %mul3A_229 : i32
      %add3A_231 = arith.constant 40960 : i32
      %add3A_232 = arith.addi %mul3A_230, %add3A_231 : i32
      %multiple_of3A = tpu.assume_multiple %add3A_232, 8192 : i32
      %dma_wait3A = tpu.memref_slice %arg7[%multiple_of3A] : memref<2000000xf32, #tpu.memory_space<hbm>> -> memref<8192xf32, #tpu.memory_space<hbm>>
      %dma_wait3A_233 = tpu.memref_slice %arg7[%multiple_of3A] : memref<2000000xf32, #tpu.memory_space<hbm>> -> memref<8192xf32, #tpu.memory_space<hbm>>
      tpu.wait_dma2 semaphore(%arg26 : memref<!tpu.dma_semaphore, #tpu.memory_space<semaphore_mem>>) src(%dma_wait3A_233 : memref<8192xf32, #tpu.memory_space<hbm>>) dst(%arg17 : memref<8192xf32, #tpu.memory_space<vmem>>)
    } else {
    }
    %le3A_208 = arith.constant 8 : i32
    %le3A_209 = arith.cmpi sle, %select_n3A_5, %le3A_208 : i32
    %gt3A_210 = arith.constant 6 : i32
    %gt3A_211 = arith.cmpi sgt, %select_n3A_5, %gt3A_210 : i32
    %and3A_212 = arith.andi %le3A_209, %gt3A_211 : i1
    %convert_element_type3A_213 = arith.extui %and3A_212 : i1 to i32
    %cond3A_214 = arith.constant 0 : i32
    %cond3A_215 = arith.cmpi ne, %convert_element_type3A_213, %cond3A_214 : i32
    scf.if %cond3A_215 {
      %mul3A_229 = arith.constant 65536 : i32
      %mul3A_230 = arith.muli %add3A, %mul3A_229 : i32
      %add3A_231 = arith.constant 49152 : i32
      %add3A_232 = arith.addi %mul3A_230, %add3A_231 : i32
      %multiple_of3A = tpu.assume_multiple %add3A_232, 8192 : i32
      %dma_wait3A = tpu.memref_slice %arg7[%multiple_of3A] : memref<2000000xf32, #tpu.memory_space<hbm>> -> memref<8192xf32, #tpu.memory_space<hbm>>
      %dma_wait3A_233 = tpu.memref_slice %arg7[%multiple_of3A] : memref<2000000xf32, #tpu.memory_space<hbm>> -> memref<8192xf32, #tpu.memory_space<hbm>>
      tpu.wait_dma2 semaphore(%arg25 : memref<!tpu.dma_semaphore, #tpu.memory_space<semaphore_mem>>) src(%dma_wait3A_233 : memref<8192xf32, #tpu.memory_space<hbm>>) dst(%arg16 : memref<8192xf32, #tpu.memory_space<vmem>>)
    } else {
    }
    %le3A_216 = arith.constant 9 : i32
    %le3A_217 = arith.cmpi sle, %select_n3A_5, %le3A_216 : i32
    %gt3A_218 = arith.constant 7 : i32
    %gt3A_219 = arith.cmpi sgt, %select_n3A_5, %gt3A_218 : i32
    %and3A_220 = arith.andi %le3A_217, %gt3A_219 : i1
    %convert_element_type3A_221 = arith.extui %and3A_220 : i1 to i32
    %cond3A_222 = arith.constant 0 : i32
    %cond3A_223 = arith.cmpi ne, %convert_element_type3A_221, %cond3A_222 : i32
    scf.if %cond3A_223 {
      %mul3A_229 = arith.constant 65536 : i32
      %mul3A_230 = arith.muli %add3A, %mul3A_229 : i32
      %add3A_231 = arith.constant 57344 : i32
      %add3A_232 = arith.addi %mul3A_230, %add3A_231 : i32
      %multiple_of3A = tpu.assume_multiple %add3A_232, 8192 : i32
      %dma_wait3A = tpu.memref_slice %arg7[%multiple_of3A] : memref<2000000xf32, #tpu.memory_space<hbm>> -> memref<8192xf32, #tpu.memory_space<hbm>>
      %dma_wait3A_233 = tpu.memref_slice %arg7[%multiple_of3A] : memref<2000000xf32, #tpu.memory_space<hbm>> -> memref<8192xf32, #tpu.memory_space<hbm>>
      tpu.wait_dma2 semaphore(%arg26 : memref<!tpu.dma_semaphore, #tpu.memory_space<semaphore_mem>>) src(%dma_wait3A_233 : memref<8192xf32, #tpu.memory_space<hbm>>) dst(%arg17 : memref<8192xf32, #tpu.memory_space<vmem>>)
    } else {
    }
    %eq3A_224 = arith.constant 30 : i32
    %eq3A_225 = arith.cmpi eq, %add3A, %eq3A_224 : i32
    %convert_element_type3A_226 = arith.extui %eq3A_225 : i1 to i32
    %cond3A_227 = arith.constant 0 : i32
    %cond3A_228 = arith.cmpi ne, %convert_element_type3A_226, %cond3A_227 : i32
    scf.if %cond3A_228 {
      "tpu.region"() ({
        %run_scoped3A = tpu.sem_alloc : memref<!tpu.dma_semaphore, #tpu.memory_space<semaphore_mem>>
        %dma_start3A_241 = arith.constant 0 : i32
        %dma_start3A_242 = tpu.memref_slice %arg8[%dma_start3A_241] : memref<8192xi32, #tpu.memory_space<vmem>> -> memref<1152xi32, #tpu.memory_space<vmem>>
        %dma_start3A_243 = arith.constant 1998848 : i32
        %dma_start3A_244 = tpu.memref_slice %arg2[%dma_start3A_243] : memref<2000000xi32, #tpu.memory_space<hbm>> -> memref<1152xi32, #tpu.memory_space<hbm>>
        %dma_start3A_245 = arith.constant 0 : i32
        %dma_start3A_246 = tpu.memref_slice %arg8[%dma_start3A_245] : memref<8192xi32, #tpu.memory_space<vmem>> -> memref<1152xi32, #tpu.memory_space<vmem>>
        %dma_start3A_247 = arith.constant 1998848 : i32
        %dma_start3A_248 = tpu.memref_slice %arg2[%dma_start3A_247] : memref<2000000xi32, #tpu.memory_space<hbm>> -> memref<1152xi32, #tpu.memory_space<hbm>>
        tpu.enqueue_dma source(%dma_start3A_248 : memref<1152xi32, #tpu.memory_space<hbm>>) target(%dma_start3A_246 : memref<1152xi32, #tpu.memory_space<vmem>>) target_semaphore(%run_scoped3A : memref<!tpu.dma_semaphore, #tpu.memory_space<semaphore_mem>>)
        %dma_wait3A_249 = arith.constant 0 : i32
        %dma_wait3A_250 = tpu.memref_slice %arg8[%dma_wait3A_249] : memref<8192xi32, #tpu.memory_space<vmem>> -> memref<1152xi32, #tpu.memory_space<vmem>>
        %dma_wait3A_251 = arith.constant 1998848 : i32
        %dma_wait3A_252 = tpu.memref_slice %arg2[%dma_wait3A_251] : memref<2000000xi32, #tpu.memory_space<hbm>> -> memref<1152xi32, #tpu.memory_space<hbm>>
        %dma_wait3A_253 = arith.constant 0 : i32
        %dma_wait3A_254 = tpu.memref_slice %arg8[%dma_wait3A_253] : memref<8192xi32, #tpu.memory_space<vmem>> -> memref<1152xi32, #tpu.memory_space<vmem>>
        %dma_wait3A_255 = arith.constant 1998848 : i32
        %dma_wait3A_256 = tpu.memref_slice %arg2[%dma_wait3A_255] : memref<2000000xi32, #tpu.memory_space<hbm>> -> memref<1152xi32, #tpu.memory_space<hbm>>
        tpu.wait_dma2 semaphore(%run_scoped3A : memref<!tpu.dma_semaphore, #tpu.memory_space<semaphore_mem>>) src(%dma_wait3A_256 : memref<1152xi32, #tpu.memory_space<hbm>>) dst(%dma_wait3A_254 : memref<1152xi32, #tpu.memory_space<vmem>>)
        tpu.yield
      }) : () -> ()
      %dma_start3A = arith.constant 0 : i32
      %dma_start3A_229 = tpu.memref_slice %arg14[%dma_start3A] : memref<8192xf32, #tpu.memory_space<vmem>> -> memref<1152xf32, #tpu.memory_space<vmem>>
      %dma_start3A_230 = arith.constant 0 : i32
      %dma_start3A_231 = tpu.memref_slice %arg8[%dma_start3A_230] : memref<8192xi32, #tpu.memory_space<vmem>> -> memref<1152xi32, #tpu.memory_space<vmem>>
      %dma_start3A_232 = arith.constant 0 : i32
      %dma_start3A_233 = tpu.memref_slice %arg5[%dma_start3A_232] : memref<6400000xf32, #tpu.memory_space<hbm>> -> memref<6400000xf32, #tpu.memory_space<hbm>>
      tpu.enqueue_indirect_dma source(%dma_start3A_233 : memref<6400000xf32, #tpu.memory_space<hbm>>) target(%dma_start3A_229 : memref<1152xf32, #tpu.memory_space<vmem>>) offsets(%dma_start3A_231 : memref<1152xi32, #tpu.memory_space<vmem>>) semaphore(%arg23 : memref<!tpu.dma_semaphore, #tpu.memory_space<semaphore_mem>>)
      "tpu.region"() ({
        %run_scoped3A = tpu.sem_alloc : memref<!tpu.dma_semaphore, #tpu.memory_space<semaphore_mem>>
        %dma_start3A_241 = arith.constant 0 : i32
        %dma_start3A_242 = tpu.memref_slice %arg10[%dma_start3A_241] : memref<8192xf32, #tpu.memory_space<vmem>> -> memref<1152xf32, #tpu.memory_space<vmem>>
        %dma_start3A_243 = arith.constant 1998848 : i32
        %dma_start3A_244 = tpu.memref_slice %arg3[%dma_start3A_243] : memref<2000000xf32, #tpu.memory_space<hbm>> -> memref<1152xf32, #tpu.memory_space<hbm>>
        %dma_start3A_245 = arith.constant 0 : i32
        %dma_start3A_246 = tpu.memref_slice %arg10[%dma_start3A_245] : memref<8192xf32, #tpu.memory_space<vmem>> -> memref<1152xf32, #tpu.memory_space<vmem>>
        %dma_start3A_247 = arith.constant 1998848 : i32
        %dma_start3A_248 = tpu.memref_slice %arg3[%dma_start3A_247] : memref<2000000xf32, #tpu.memory_space<hbm>> -> memref<1152xf32, #tpu.memory_space<hbm>>
        tpu.enqueue_dma source(%dma_start3A_248 : memref<1152xf32, #tpu.memory_space<hbm>>) target(%dma_start3A_246 : memref<1152xf32, #tpu.memory_space<vmem>>) target_semaphore(%run_scoped3A : memref<!tpu.dma_semaphore, #tpu.memory_space<semaphore_mem>>)
        %dma_wait3A_249 = arith.constant 0 : i32
        %dma_wait3A_250 = tpu.memref_slice %arg10[%dma_wait3A_249] : memref<8192xf32, #tpu.memory_space<vmem>> -> memref<1152xf32, #tpu.memory_space<vmem>>
        %dma_wait3A_251 = arith.constant 1998848 : i32
        %dma_wait3A_252 = tpu.memref_slice %arg3[%dma_wait3A_251] : memref<2000000xf32, #tpu.memory_space<hbm>> -> memref<1152xf32, #tpu.memory_space<hbm>>
        %dma_wait3A_253 = arith.constant 0 : i32
        %dma_wait3A_254 = tpu.memref_slice %arg10[%dma_wait3A_253] : memref<8192xf32, #tpu.memory_space<vmem>> -> memref<1152xf32, #tpu.memory_space<vmem>>
        %dma_wait3A_255 = arith.constant 1998848 : i32
        %dma_wait3A_256 = tpu.memref_slice %arg3[%dma_wait3A_255] : memref<2000000xf32, #tpu.memory_space<hbm>> -> memref<1152xf32, #tpu.memory_space<hbm>>
        tpu.wait_dma2 semaphore(%run_scoped3A : memref<!tpu.dma_semaphore, #tpu.memory_space<semaphore_mem>>) src(%dma_wait3A_256 : memref<1152xf32, #tpu.memory_space<hbm>>) dst(%dma_wait3A_254 : memref<1152xf32, #tpu.memory_space<vmem>>)
        tpu.yield
      }) : () -> ()
      "tpu.region"() ({
        %run_scoped3A = tpu.sem_alloc : memref<!tpu.dma_semaphore, #tpu.memory_space<semaphore_mem>>
        %dma_start3A_241 = arith.constant 0 : i32
        %dma_start3A_242 = tpu.memref_slice %arg12[%dma_start3A_241] : memref<8192xi32, #tpu.memory_space<vmem>> -> memref<1152xi32, #tpu.memory_space<vmem>>
        %dma_start3A_243 = arith.constant 1998848 : i32
        %dma_start3A_244 = tpu.memref_slice %arg4[%dma_start3A_243] : memref<2000000xi32, #tpu.memory_space<hbm>> -> memref<1152xi32, #tpu.memory_space<hbm>>
        %dma_start3A_245 = arith.constant 0 : i32
        %dma_start3A_246 = tpu.memref_slice %arg12[%dma_start3A_245] : memref<8192xi32, #tpu.memory_space<vmem>> -> memref<1152xi32, #tpu.memory_space<vmem>>
        %dma_start3A_247 = arith.constant 1998848 : i32
        %dma_start3A_248 = tpu.memref_slice %arg4[%dma_start3A_247] : memref<2000000xi32, #tpu.memory_space<hbm>> -> memref<1152xi32, #tpu.memory_space<hbm>>
        tpu.enqueue_dma source(%dma_start3A_248 : memref<1152xi32, #tpu.memory_space<hbm>>) target(%dma_start3A_246 : memref<1152xi32, #tpu.memory_space<vmem>>) target_semaphore(%run_scoped3A : memref<!tpu.dma_semaphore, #tpu.memory_space<semaphore_mem>>)
        %dma_wait3A_249 = arith.constant 0 : i32
        %dma_wait3A_250 = tpu.memref_slice %arg12[%dma_wait3A_249] : memref<8192xi32, #tpu.memory_space<vmem>> -> memref<1152xi32, #tpu.memory_space<vmem>>
        %dma_wait3A_251 = arith.constant 1998848 : i32
        %dma_wait3A_252 = tpu.memref_slice %arg4[%dma_wait3A_251] : memref<2000000xi32, #tpu.memory_space<hbm>> -> memref<1152xi32, #tpu.memory_space<hbm>>
        %dma_wait3A_253 = arith.constant 0 : i32
        %dma_wait3A_254 = tpu.memref_slice %arg12[%dma_wait3A_253] : memref<8192xi32, #tpu.memory_space<vmem>> -> memref<1152xi32, #tpu.memory_space<vmem>>
        %dma_wait3A_255 = arith.constant 1998848 : i32
        %dma_wait3A_256 = tpu.memref_slice %arg4[%dma_wait3A_255] : memref<2000000xi32, #tpu.memory_space<hbm>> -> memref<1152xi32, #tpu.memory_space<hbm>>
        tpu.wait_dma2 semaphore(%run_scoped3A : memref<!tpu.dma_semaphore, #tpu.memory_space<semaphore_mem>>) src(%dma_wait3A_256 : memref<1152xi32, #tpu.memory_space<hbm>>) dst(%dma_wait3A_254 : memref<1152xi32, #tpu.memory_space<vmem>>)
        tpu.yield
      }) : () -> ()
      %dma_wait3A = arith.constant 0 : i32
      %dma_wait3A_234 = tpu.memref_slice %arg14[%dma_wait3A] : memref<8192xf32, #tpu.memory_space<vmem>> -> memref<1152xf32, #tpu.memory_space<vmem>>
      %dma_wait3A_235 = arith.constant 1998848 : i32
      %dma_wait3A_236 = tpu.memref_slice %arg3[%dma_wait3A_235] : memref<2000000xf32, #tpu.memory_space<hbm>> -> memref<1152xf32, #tpu.memory_space<hbm>>
      %dma_wait3A_237 = arith.constant 0 : i32
      %dma_wait3A_238 = tpu.memref_slice %arg14[%dma_wait3A_237] : memref<8192xf32, #tpu.memory_space<vmem>> -> memref<1152xf32, #tpu.memory_space<vmem>>
      %dma_wait3A_239 = arith.constant 1998848 : i32
      %dma_wait3A_240 = tpu.memref_slice %arg3[%dma_wait3A_239] : memref<2000000xf32, #tpu.memory_space<hbm>> -> memref<1152xf32, #tpu.memory_space<hbm>>
      tpu.wait_dma2 semaphore(%arg23 : memref<!tpu.dma_semaphore, #tpu.memory_space<semaphore_mem>>) src(%dma_wait3A_240 : memref<1152xf32, #tpu.memory_space<hbm>>) dst(%dma_wait3A_238 : memref<1152xf32, #tpu.memory_space<vmem>>)
      "tpu.region"() ({
        %run_scoped3A = tpu.sem_alloc : memref<!tpu.dma_semaphore, #tpu.memory_space<semaphore_mem>>
        %dma_start3A_241 = arith.constant 0 : i32
        %dma_start3A_242 = tpu.memref_slice %arg16[%dma_start3A_241] : memref<8192xf32, #tpu.memory_space<vmem>> -> memref<1152xf32, #tpu.memory_space<vmem>>
        %dma_start3A_243 = arith.constant 1998848 : i32
        %dma_start3A_244 = tpu.memref_slice %arg7[%dma_start3A_243] : memref<2000000xf32, #tpu.memory_space<hbm>> -> memref<1152xf32, #tpu.memory_space<hbm>>
        %dma_start3A_245 = arith.constant 1998848 : i32
        %dma_start3A_246 = tpu.memref_slice %arg7[%dma_start3A_245] : memref<2000000xf32, #tpu.memory_space<hbm>> -> memref<1152xf32, #tpu.memory_space<hbm>>
        %dma_start3A_247 = arith.constant 0 : i32
        %dma_start3A_248 = tpu.memref_slice %arg16[%dma_start3A_247] : memref<8192xf32, #tpu.memory_space<vmem>> -> memref<1152xf32, #tpu.memory_space<vmem>>
        tpu.enqueue_dma source(%dma_start3A_248 : memref<1152xf32, #tpu.memory_space<vmem>>) target(%dma_start3A_246 : memref<1152xf32, #tpu.memory_space<hbm>>) target_semaphore(%run_scoped3A : memref<!tpu.dma_semaphore, #tpu.memory_space<semaphore_mem>>)
        %dma_wait3A_249 = arith.constant 0 : i32
        %dma_wait3A_250 = tpu.memref_slice %arg16[%dma_wait3A_249] : memref<8192xf32, #tpu.memory_space<vmem>> -> memref<1152xf32, #tpu.memory_space<vmem>>
        %dma_wait3A_251 = arith.constant 1998848 : i32
        %dma_wait3A_252 = tpu.memref_slice %arg7[%dma_wait3A_251] : memref<2000000xf32, #tpu.memory_space<hbm>> -> memref<1152xf32, #tpu.memory_space<hbm>>
        %dma_wait3A_253 = arith.constant 1998848 : i32
        %dma_wait3A_254 = tpu.memref_slice %arg7[%dma_wait3A_253] : memref<2000000xf32, #tpu.memory_space<hbm>> -> memref<1152xf32, #tpu.memory_space<hbm>>
        %dma_wait3A_255 = arith.constant 0 : i32
        %dma_wait3A_256 = tpu.memref_slice %arg16[%dma_wait3A_255] : memref<8192xf32, #tpu.memory_space<vmem>> -> memref<1152xf32, #tpu.memory_space<vmem>>
        tpu.wait_dma2 semaphore(%run_scoped3A : memref<!tpu.dma_semaphore, #tpu.memory_space<semaphore_mem>>) src(%dma_wait3A_256 : memref<1152xf32, #tpu.memory_space<vmem>>) dst(%dma_wait3A_254 : memref<1152xf32, #tpu.memory_space<hbm>>)
        tpu.yield
      }) : () -> ()
    } else {
    }
    "tpu.region"() ({
      %run_scoped3A = tpu.sem_alloc : memref<!tpu.dma_semaphore, #tpu.memory_space<semaphore_mem>>
      %dma_start3A = arith.constant 0 : i32
      %dma_start3A_229 = tpu.memref_slice %arg18[%dma_start3A] : memref<16400xf32, #tpu.memory_space<vmem>> -> memref<16384xf32, #tpu.memory_space<vmem>>
      %dma_start3A_230 = arith.constant 0 : i32
      %dma_start3A_231 = tpu.memref_slice %arg6[%add3A, %dma_start3A_230] : memref<32x16384xf32, #tpu.memory_space<hbm>> -> memref<1x16384xf32, #tpu.memory_space<hbm>>
      %dma_start3A_232 = tpu.memref_squeeze %dma_start3A_231 : memref<1x16384xf32, #tpu.memory_space<hbm>> -> memref<16384xf32, #tpu.memory_space<hbm>>
      %dma_start3A_233 = arith.constant 0 : i32
      %dma_start3A_234 = tpu.memref_slice %arg6[%add3A, %dma_start3A_233] : memref<32x16384xf32, #tpu.memory_space<hbm>> -> memref<1x16384xf32, #tpu.memory_space<hbm>>
      %dma_start3A_235 = tpu.memref_squeeze %dma_start3A_234 : memref<1x16384xf32, #tpu.memory_space<hbm>> -> memref<16384xf32, #tpu.memory_space<hbm>>
      %dma_start3A_236 = arith.constant 0 : i32
      %dma_start3A_237 = tpu.memref_slice %arg18[%dma_start3A_236] : memref<16400xf32, #tpu.memory_space<vmem>> -> memref<16384xf32, #tpu.memory_space<vmem>>
      tpu.enqueue_dma source(%dma_start3A_237 : memref<16384xf32, #tpu.memory_space<vmem>>) target(%dma_start3A_235 : memref<16384xf32, #tpu.memory_space<hbm>>) target_semaphore(%run_scoped3A : memref<!tpu.dma_semaphore, #tpu.memory_space<semaphore_mem>>)
      %dma_wait3A = arith.constant 0 : i32
      %dma_wait3A_238 = tpu.memref_slice %arg18[%dma_wait3A] : memref<16400xf32, #tpu.memory_space<vmem>> -> memref<16384xf32, #tpu.memory_space<vmem>>
      %dma_wait3A_239 = arith.constant 0 : i32
      %dma_wait3A_240 = tpu.memref_slice %arg6[%add3A, %dma_wait3A_239] : memref<32x16384xf32, #tpu.memory_space<hbm>> -> memref<1x16384xf32, #tpu.memory_space<hbm>>
      %dma_wait3A_241 = tpu.memref_squeeze %dma_wait3A_240 : memref<1x16384xf32, #tpu.memory_space<hbm>> -> memref<16384xf32, #tpu.memory_space<hbm>>
      %dma_wait3A_242 = arith.constant 0 : i32
      %dma_wait3A_243 = tpu.memref_slice %arg6[%add3A, %dma_wait3A_242] : memref<32x16384xf32, #tpu.memory_space<hbm>> -> memref<1x16384xf32, #tpu.memory_space<hbm>>
      %dma_wait3A_244 = tpu.memref_squeeze %dma_wait3A_243 : memref<1x16384xf32, #tpu.memory_space<hbm>> -> memref<16384xf32, #tpu.memory_space<hbm>>
      %dma_wait3A_245 = arith.constant 0 : i32
      %dma_wait3A_246 = tpu.memref_slice %arg18[%dma_wait3A_245] : memref<16400xf32, #tpu.memory_space<vmem>> -> memref<16384xf32, #tpu.memory_space<vmem>>
      tpu.wait_dma2 semaphore(%run_scoped3A : memref<!tpu.dma_semaphore, #tpu.memory_space<semaphore_mem>>) src(%dma_wait3A_246 : memref<16384xf32, #tpu.memory_space<vmem>>) dst(%dma_wait3A_244 : memref<16384xf32, #tpu.memory_space<hbm>>)
      tpu.yield
    }) : () -> ()
    return
  }
}

#map = affine_map<(d0, d1) -> (0, 0)>
#map1 = affine_map<(d0, d1) -> (0)>
module attributes {stable_mosaic.version = 14 : i64} {
  func.func @_phase2(%arg0: i32, %arg1: i32, %arg2: memref<32x16384xf32, #tpu.memory_space<hbm>>, %arg3: memref<16384xf32, #tpu.memory_space<hbm>>, %arg4: memref<32x512xf32, #tpu.memory_space<vmem>>, %arg5: memref<512xf32, #tpu.memory_space<vmem>>, %arg6: memref<!tpu.dma_semaphore, #tpu.memory_space<semaphore_mem>>) attributes {dimension_semantics = [#tpu.dimension_semantics<core_parallel>, #tpu.dimension_semantics<subcore_parallel>], iteration_bounds = array<i64: 2, 16>, scalar_prefetch = 0 : i64, scratch_operands = 3 : i64, tpu.core_type = #tpu.core_type<sc_vector_subcore>, window_params = [{transform_indices = #map}, {transform_indices = #map1}]} {
    %mul3A = arith.constant 16 : i32
    %mul3A_0 = arith.muli %arg0, %mul3A : i32
    %add3A = arith.addi %mul3A_0, %arg1 : i32
    %mul3A_1 = arith.constant 512 : i32
    %mul3A_2 = arith.muli %add3A, %mul3A_1 : i32
    %multiple_of3A = tpu.assume_multiple %mul3A_2, 512 : i32
    %scan3A = arith.constant 0 : i32
    %scan3A_3 = arith.constant 32 : i32
    %scan3A_4 = arith.addi %scan3A, %scan3A_3 : i32
    %scan3A_5 = arith.constant 1 : i32
    scf.for %scan3A_17 = %scan3A to %scan3A_4 step %scan3A_5  : i32 {
      %mul3A_18 = arith.constant 1 : i32
      %mul3A_19 = arith.muli %scan3A_17, %mul3A_18 : i32
      %add3A_20 = arith.constant 0 : i32
      %add3A_21 = arith.addi %add3A_20, %mul3A_19 : i32
      %dma_start3A = arith.constant 0 : i32
      %dma_start3A_22 = tpu.memref_slice %arg4[%add3A_21, %dma_start3A] : memref<32x512xf32, #tpu.memory_space<vmem>> -> memref<1x512xf32, #tpu.memory_space<vmem>>
      %dma_start3A_23 = tpu.memref_squeeze %dma_start3A_22 : memref<1x512xf32, #tpu.memory_space<vmem>> -> memref<512xf32, #tpu.memory_space<vmem>>
      %dma_start3A_24 = tpu.memref_slice %arg2[%add3A_21, %multiple_of3A] : memref<32x16384xf32, #tpu.memory_space<hbm>> -> memref<1x512xf32, #tpu.memory_space<hbm>>
      %dma_start3A_25 = tpu.memref_squeeze %dma_start3A_24 : memref<1x512xf32, #tpu.memory_space<hbm>> -> memref<512xf32, #tpu.memory_space<hbm>>
      %dma_start3A_26 = arith.constant 0 : i32
      %dma_start3A_27 = tpu.memref_slice %arg4[%add3A_21, %dma_start3A_26] : memref<32x512xf32, #tpu.memory_space<vmem>> -> memref<1x512xf32, #tpu.memory_space<vmem>>
      %dma_start3A_28 = tpu.memref_squeeze %dma_start3A_27 : memref<1x512xf32, #tpu.memory_space<vmem>> -> memref<512xf32, #tpu.memory_space<vmem>>
      %dma_start3A_29 = tpu.memref_slice %arg2[%add3A_21, %multiple_of3A] : memref<32x16384xf32, #tpu.memory_space<hbm>> -> memref<1x512xf32, #tpu.memory_space<hbm>>
      %dma_start3A_30 = tpu.memref_squeeze %dma_start3A_29 : memref<1x512xf32, #tpu.memory_space<hbm>> -> memref<512xf32, #tpu.memory_space<hbm>>
      tpu.enqueue_dma source(%dma_start3A_30 : memref<512xf32, #tpu.memory_space<hbm>>) target(%dma_start3A_28 : memref<512xf32, #tpu.memory_space<vmem>>) target_semaphore(%arg6 : memref<!tpu.dma_semaphore, #tpu.memory_space<semaphore_mem>>)
    }
    %scan3A_6 = arith.constant 32 : i32
    %scan3A_7 = arith.constant 0 : i32
    %scan3A_8 = arith.constant 32 : i32
    %scan3A_9 = arith.addi %scan3A_7, %scan3A_8 : i32
    %scan3A_10 = arith.constant 1 : i32
    scf.for %scan3A_17 = %scan3A_7 to %scan3A_9 step %scan3A_10  : i32 {
      %mul3A_18 = arith.constant 1 : i32
      %mul3A_19 = arith.muli %scan3A_17, %mul3A_18 : i32
      %add3A_20 = arith.constant 0 : i32
      %add3A_21 = arith.addi %add3A_20, %mul3A_19 : i32
      %dma_wait3A = arith.constant 0 : i32
      %dma_wait3A_22 = tpu.memref_slice %arg4[%add3A_21, %dma_wait3A] : memref<32x512xf32, #tpu.memory_space<vmem>> -> memref<1x512xf32, #tpu.memory_space<vmem>>
      %dma_wait3A_23 = tpu.memref_squeeze %dma_wait3A_22 : memref<1x512xf32, #tpu.memory_space<vmem>> -> memref<512xf32, #tpu.memory_space<vmem>>
      %dma_wait3A_24 = tpu.memref_slice %arg2[%add3A_21, %multiple_of3A] : memref<32x16384xf32, #tpu.memory_space<hbm>> -> memref<1x512xf32, #tpu.memory_space<hbm>>
      %dma_wait3A_25 = tpu.memref_squeeze %dma_wait3A_24 : memref<1x512xf32, #tpu.memory_space<hbm>> -> memref<512xf32, #tpu.memory_space<hbm>>
      %dma_wait3A_26 = arith.constant 0 : i32
      %dma_wait3A_27 = tpu.memref_slice %arg4[%add3A_21, %dma_wait3A_26] : memref<32x512xf32, #tpu.memory_space<vmem>> -> memref<1x512xf32, #tpu.memory_space<vmem>>
      %dma_wait3A_28 = tpu.memref_squeeze %dma_wait3A_27 : memref<1x512xf32, #tpu.memory_space<vmem>> -> memref<512xf32, #tpu.memory_space<vmem>>
      %dma_wait3A_29 = tpu.memref_slice %arg2[%add3A_21, %multiple_of3A] : memref<32x16384xf32, #tpu.memory_space<hbm>> -> memref<1x512xf32, #tpu.memory_space<hbm>>
      %dma_wait3A_30 = tpu.memref_squeeze %dma_wait3A_29 : memref<1x512xf32, #tpu.memory_space<hbm>> -> memref<512xf32, #tpu.memory_space<hbm>>
      tpu.wait_dma2 semaphore(%arg6 : memref<!tpu.dma_semaphore, #tpu.memory_space<semaphore_mem>>) src(%dma_wait3A_30 : memref<512xf32, #tpu.memory_space<hbm>>) dst(%dma_wait3A_28 : memref<512xf32, #tpu.memory_space<vmem>>)
    }
    %scan3A_11 = arith.constant 32 : i32
    %scan3A_12 = arith.constant 0 : i32
    %scan3A_13 = arith.constant 32 : i32
    %scan3A_14 = arith.addi %scan3A_12, %scan3A_13 : i32
    %scan3A_15 = arith.constant 1 : i32
    scf.for %scan3A_17 = %scan3A_12 to %scan3A_14 step %scan3A_15  : i32 {
      %mul3A_18 = arith.constant 1 : i32
      %mul3A_19 = arith.muli %scan3A_17, %mul3A_18 : i32
      %add3A_20 = arith.constant 0 : i32
      %add3A_21 = arith.addi %add3A_20, %mul3A_19 : i32
      %broadcast_in_dim3A = arith.constant 0.000000e+00 : f32
      %broadcast_in_dim3A_22 = vector.broadcast %broadcast_in_dim3A : f32 to vector<16xf32>
      %scan3A_23 = arith.constant 0 : i32
      %scan3A_24 = arith.constant 32 : i32
      %scan3A_25 = arith.addi %scan3A_23, %scan3A_24 : i32
      %scan3A_26 = arith.constant 1 : i32
      %scan3A_27 = scf.for %scan3A_34 = %scan3A_23 to %scan3A_25 step %scan3A_26 iter_args(%scan3A_35 = %broadcast_in_dim3A_22) -> (vector<16xf32>)  : i32 {
        %mul3A_36 = arith.constant 16 : i32
        %mul3A_37 = arith.muli %add3A_21, %mul3A_36 : i32
        %get3A = arith.index_cast %scan3A_34 : i32 to index
        %get3A_38 = arith.index_cast %mul3A_37 : i32 to index
        %get3A_39 = tpu.vector_load %arg4[%get3A, %get3A_38] {strides = array<i32>} : memref<32x512xf32, #tpu.memory_space<vmem>>, vector<16xf32>,
        %add3A_40 = arith.addf %scan3A_35, %get3A_39 : vector<16xf32>
        scf.yield %add3A_40 : vector<16xf32>
      }
      %scan3A_28 = arith.constant 32 : i32
      %div3A = arith.constant 1.000000e+00 : f32
      %div3A_29 = vector.broadcast %div3A : f32 to vector<16xf32>
      %div3A_30 = arith.divf %div3A_29, %scan3A_27 : vector<16xf32>
      %mul3A_31 = arith.constant 16 : i32
      %mul3A_32 = arith.muli %add3A_21, %mul3A_31 : i32
      %swap3A = arith.index_cast %mul3A_32 : i32 to index
      %swap3A_33 = tpu.vector_load %arg5[%swap3A] {strides = array<i32>} : memref<512xf32, #tpu.memory_space<vmem>>, vector<16xf32>,
      tpu.vector_store %arg5[%swap3A], %div3A_30 {strides = array<i32>} : memref<512xf32, #tpu.memory_space<vmem>>, vector<16xf32>,
    }
    %scan3A_16 = arith.constant 32 : i32
    "tpu.region"() ({
      %run_scoped3A = tpu.sem_alloc : memref<!tpu.dma_semaphore, #tpu.memory_space<semaphore_mem>>
      %dma_start3A = tpu.memref_slice %arg3[%multiple_of3A] : memref<16384xf32, #tpu.memory_space<hbm>> -> memref<512xf32, #tpu.memory_space<hbm>>
      %dma_start3A_17 = tpu.memref_slice %arg3[%multiple_of3A] : memref<16384xf32, #tpu.memory_space<hbm>> -> memref<512xf32, #tpu.memory_space<hbm>>
      tpu.enqueue_dma source(%arg5 : memref<512xf32, #tpu.memory_space<vmem>>) target(%dma_start3A_17 : memref<512xf32, #tpu.memory_space<hbm>>) target_semaphore(%run_scoped3A : memref<!tpu.dma_semaphore, #tpu.memory_space<semaphore_mem>>)
      %dma_wait3A = tpu.memref_slice %arg3[%multiple_of3A] : memref<16384xf32, #tpu.memory_space<hbm>> -> memref<512xf32, #tpu.memory_space<hbm>>
      %dma_wait3A_18 = tpu.memref_slice %arg3[%multiple_of3A] : memref<16384xf32, #tpu.memory_space<hbm>> -> memref<512xf32, #tpu.memory_space<hbm>>
      tpu.wait_dma2 semaphore(%run_scoped3A : memref<!tpu.dma_semaphore, #tpu.memory_space<semaphore_mem>>) src(%arg5 : memref<512xf32, #tpu.memory_space<vmem>>) dst(%dma_wait3A_18 : memref<512xf32, #tpu.memory_space<hbm>>)
      tpu.yield
    }) : () -> ()
    return
  }
}

#map = affine_map<(d0, d1) -> (0)>
module attributes {stable_mosaic.version = 14 : i64} {
  func.func @_phase3(%arg0: i32, %arg1: i32, %arg2: memref<2000000xf32, #tpu.memory_space<hbm>>, %arg3: memref<2000000xi32, #tpu.memory_space<hbm>>, %arg4: memref<262144xi32, #tpu.memory_space<hbm>>, %arg5: memref<16384xf32, #tpu.memory_space<hbm>>, %arg6: memref<262144xf32, #tpu.memory_space<hbm>>, %arg7: memref<16384xf32, #tpu.memory_space<vmem>>, %arg8: memref<8192xi32, #tpu.memory_space<vmem>>, %arg9: memref<8192xf32, #tpu.memory_space<vmem>>, %arg10: memref<8192xi32, #tpu.memory_space<vmem>>, %arg11: memref<8192xf32, #tpu.memory_space<vmem>>, %arg12: memref<!tpu.dma_semaphore, #tpu.memory_space<semaphore_mem>>, %arg13: memref<!tpu.dma_semaphore, #tpu.memory_space<semaphore_mem>>) attributes {dimension_semantics = [#tpu.dimension_semantics<core_parallel>, #tpu.dimension_semantics<subcore_parallel>], iteration_bounds = array<i64: 2, 16>, scalar_prefetch = 0 : i64, scratch_operands = 7 : i64, tpu.core_type = #tpu.core_type<sc_vector_subcore>, window_params = [{transform_indices = #map}, {transform_indices = #map}, {transform_indices = #map}, {transform_indices = #map}, {transform_indices = #map}]} {
    %mul3A = arith.constant 16 : i32
    %mul3A_0 = arith.muli %arg0, %mul3A : i32
    %add3A = arith.addi %mul3A_0, %arg1 : i32
    %mul3A_1 = arith.constant 8192 : i32
    %mul3A_2 = arith.muli %add3A, %mul3A_1 : i32
    %multiple_of3A = tpu.assume_multiple %mul3A_2, 8192 : i32
    "tpu.region"() ({
      %run_scoped3A = tpu.sem_alloc : memref<!tpu.dma_semaphore, #tpu.memory_space<semaphore_mem>>
      %dma_start3A_17 = tpu.memref_slice %arg4[%multiple_of3A] : memref<262144xi32, #tpu.memory_space<hbm>> -> memref<8192xi32, #tpu.memory_space<hbm>>
      %dma_start3A_18 = tpu.memref_slice %arg4[%multiple_of3A] : memref<262144xi32, #tpu.memory_space<hbm>> -> memref<8192xi32, #tpu.memory_space<hbm>>
      tpu.enqueue_dma source(%dma_start3A_18 : memref<8192xi32, #tpu.memory_space<hbm>>) target(%arg8 : memref<8192xi32, #tpu.memory_space<vmem>>) target_semaphore(%run_scoped3A : memref<!tpu.dma_semaphore, #tpu.memory_space<semaphore_mem>>)
      %dma_wait3A_19 = tpu.memref_slice %arg4[%multiple_of3A] : memref<262144xi32, #tpu.memory_space<hbm>> -> memref<8192xi32, #tpu.memory_space<hbm>>
      %dma_wait3A_20 = tpu.memref_slice %arg4[%multiple_of3A] : memref<262144xi32, #tpu.memory_space<hbm>> -> memref<8192xi32, #tpu.memory_space<hbm>>
      tpu.wait_dma2 semaphore(%run_scoped3A : memref<!tpu.dma_semaphore, #tpu.memory_space<semaphore_mem>>) src(%dma_wait3A_20 : memref<8192xi32, #tpu.memory_space<hbm>>) dst(%arg8 : memref<8192xi32, #tpu.memory_space<vmem>>)
      tpu.yield
    }) : () -> ()
    %dma_start3A = arith.constant 0 : i32
    %dma_start3A_3 = tpu.memref_slice %arg2[%dma_start3A] : memref<2000000xf32, #tpu.memory_space<hbm>> -> memref<2000000xf32, #tpu.memory_space<hbm>>
    tpu.enqueue_indirect_dma source(%dma_start3A_3 : memref<2000000xf32, #tpu.memory_space<hbm>>) target(%arg9 : memref<8192xf32, #tpu.memory_space<vmem>>) offsets(%arg8 : memref<8192xi32, #tpu.memory_space<vmem>>) semaphore(%arg12 : memref<!tpu.dma_semaphore, #tpu.memory_space<semaphore_mem>>)
    %dma_start3A_4 = arith.constant 0 : i32
    %dma_start3A_5 = tpu.memref_slice %arg3[%dma_start3A_4] : memref<2000000xi32, #tpu.memory_space<hbm>> -> memref<2000000xi32, #tpu.memory_space<hbm>>
    tpu.enqueue_indirect_dma source(%dma_start3A_5 : memref<2000000xi32, #tpu.memory_space<hbm>>) target(%arg10 : memref<8192xi32, #tpu.memory_space<vmem>>) offsets(%arg8 : memref<8192xi32, #tpu.memory_space<vmem>>) semaphore(%arg13 : memref<!tpu.dma_semaphore, #tpu.memory_space<semaphore_mem>>)
    "tpu.region"() ({
      %run_scoped3A = tpu.sem_alloc : memref<!tpu.dma_semaphore, #tpu.memory_space<semaphore_mem>>
      tpu.enqueue_dma source(%arg5 : memref<16384xf32, #tpu.memory_space<hbm>>) target(%arg7 : memref<16384xf32, #tpu.memory_space<vmem>>) target_semaphore(%run_scoped3A : memref<!tpu.dma_semaphore, #tpu.memory_space<semaphore_mem>>)
      tpu.wait_dma2 semaphore(%run_scoped3A : memref<!tpu.dma_semaphore, #tpu.memory_space<semaphore_mem>>) src(%arg5 : memref<16384xf32, #tpu.memory_space<hbm>>) dst(%arg7 : memref<16384xf32, #tpu.memory_space<vmem>>)
      tpu.yield
    }) : () -> ()
    %dma_wait3A = arith.constant 0 : i32
    %dma_wait3A_6 = tpu.memref_slice %arg5[%dma_wait3A] : memref<16384xf32, #tpu.memory_space<hbm>> -> memref<8192xf32, #tpu.memory_space<hbm>>
    %dma_wait3A_7 = arith.constant 0 : i32
    %dma_wait3A_8 = tpu.memref_slice %arg5[%dma_wait3A_7] : memref<16384xf32, #tpu.memory_space<hbm>> -> memref<8192xf32, #tpu.memory_space<hbm>>
    tpu.wait_dma2 semaphore(%arg12 : memref<!tpu.dma_semaphore, #tpu.memory_space<semaphore_mem>>) src(%dma_wait3A_8 : memref<8192xf32, #tpu.memory_space<hbm>>) dst(%arg9 : memref<8192xf32, #tpu.memory_space<vmem>>)
    %dma_wait3A_9 = arith.constant 0 : i32
    %dma_wait3A_10 = tpu.memref_slice %arg5[%dma_wait3A_9] : memref<16384xf32, #tpu.memory_space<hbm>> -> memref<8192xf32, #tpu.memory_space<hbm>>
    %dma_wait3A_11 = arith.constant 0 : i32
    %dma_wait3A_12 = tpu.memref_slice %arg5[%dma_wait3A_11] : memref<16384xf32, #tpu.memory_space<hbm>> -> memref<8192xf32, #tpu.memory_space<hbm>>
    tpu.wait_dma2 semaphore(%arg13 : memref<!tpu.dma_semaphore, #tpu.memory_space<semaphore_mem>>) src(%dma_wait3A_12 : memref<8192xf32, #tpu.memory_space<hbm>>) dst(%arg10 : memref<8192xi32, #tpu.memory_space<vmem>>)
    %scan3A = arith.constant 0 : i32
    %scan3A_13 = arith.constant 512 : i32
    %scan3A_14 = arith.addi %scan3A, %scan3A_13 : i32
    %scan3A_15 = arith.constant 1 : i32
    scf.for %scan3A_17 = %scan3A to %scan3A_14 step %scan3A_15  : i32 {
      %mul3A_18 = arith.constant 1 : i32
      %mul3A_19 = arith.muli %scan3A_17, %mul3A_18 : i32
      %add3A_20 = arith.constant 0 : i32
      %add3A_21 = arith.addi %add3A_20, %mul3A_19 : i32
      %mul3A_22 = arith.constant 16 : i32
      %mul3A_23 = arith.muli %add3A_21, %mul3A_22 : i32
      %get3A = arith.index_cast %mul3A_23 : i32 to index
      %get3A_24 = tpu.vector_load %arg10[%get3A] {strides = array<i32>} : memref<8192xi32, #tpu.memory_space<vmem>>, vector<16xi32>,
      %gather3A = tpu.vector_load_idx %arg7[%get3A_24] : memref<16384xf32, #tpu.memory_space<vmem>>[vector<16xi32>], vector<16xf32>,
      %get3A_25 = arith.index_cast %mul3A_23 : i32 to index
      %get3A_26 = tpu.vector_load %arg9[%get3A_25] {strides = array<i32>} : memref<8192xf32, #tpu.memory_space<vmem>>, vector<16xf32>,
      %mul3A_27 = arith.mulf %get3A_26, %gather3A : vector<16xf32>
      %sub3A = arith.constant 1.000000e+00 : f32
      %sub3A_28 = vector.broadcast %sub3A : f32 to vector<16xf32>
      %sub3A_29 = arith.subf %sub3A_28, %mul3A_27 : vector<16xf32>
      %add3A_30 = arith.addf %sub3A_29, %mul3A_27 : vector<16xf32>
      %swap3A = arith.index_cast %mul3A_23 : i32 to index
      %swap3A_31 = tpu.vector_load %arg11[%swap3A] {strides = array<i32>} : memref<8192xf32, #tpu.memory_space<vmem>>, vector<16xf32>,
      tpu.vector_store %arg11[%swap3A], %add3A_30 {strides = array<i32>} : memref<8192xf32, #tpu.memory_space<vmem>>, vector<16xf32>,
    }
    %scan3A_16 = arith.constant 512 : i32
    "tpu.region"() ({
      %run_scoped3A = tpu.sem_alloc : memref<!tpu.dma_semaphore, #tpu.memory_space<semaphore_mem>>
      %dma_start3A_17 = tpu.memref_slice %arg6[%multiple_of3A] : memref<262144xf32, #tpu.memory_space<hbm>> -> memref<8192xf32, #tpu.memory_space<hbm>>
      %dma_start3A_18 = tpu.memref_slice %arg6[%multiple_of3A] : memref<262144xf32, #tpu.memory_space<hbm>> -> memref<8192xf32, #tpu.memory_space<hbm>>
      tpu.enqueue_dma source(%arg11 : memref<8192xf32, #tpu.memory_space<vmem>>) target(%dma_start3A_18 : memref<8192xf32, #tpu.memory_space<hbm>>) target_semaphore(%run_scoped3A : memref<!tpu.dma_semaphore, #tpu.memory_space<semaphore_mem>>)
      %dma_wait3A_19 = tpu.memref_slice %arg6[%multiple_of3A] : memref<262144xf32, #tpu.memory_space<hbm>> -> memref<8192xf32, #tpu.memory_space<hbm>>
      %dma_wait3A_20 = tpu.memref_slice %arg6[%multiple_of3A] : memref<262144xf32, #tpu.memory_space<hbm>> -> memref<8192xf32, #tpu.memory_space<hbm>>
      tpu.wait_dma2 semaphore(%run_scoped3A : memref<!tpu.dma_semaphore, #tpu.memory_space<semaphore_mem>>) src(%arg11 : memref<8192xf32, #tpu.memory_space<vmem>>) dst(%dma_wait3A_20 : memref<8192xf32, #tpu.memory_space<hbm>>)
      tpu.yield
    }) : () -> ()
    return
  }
}

</mosaic_0001>

<sc_bundles>
// kernel: kernel.11.cloned.1.call-start
scs
__scs_entry_jumppad:
0x0: {  	(pc) =	sbr.rel $0x88, $3  }
0x1: {  	(tag) =	ssettag $0x0;
	lr =	simm.s32 $0x1  }
0x2: {  	[smem:$0x3F9C] =	sst lr;
	_ =	strace $0xD0000000  }
0x3: {  	_ = 	snop  }
0x4: {  	_ = 	snop  }
0x5: {  	_ = 	snop  }
0x6: {  	_ = 	snop  }
0x7: {  	_ = 	snop  }
__scs_overlays_trampoline_lowered:
0x8: {  	[smem:$0x3FAB] =	sst s0  }
0x9: {  	[smem:$0x3FAC] =	sst s1  }
0xa: {  	[smem:$0x3FAD] =	sst s2  }
0xb: {  	[smem:$0x3FAE] =	sst s3  }
0xc: {  	[smem:$0x3FAF] =	sst s4  }
0xd: {  	[smem:$0x3FB0] =	sst s5  }
0xe: {  	[smem:$0x3FB1] =	sst s6  }
0xf: {  	[smem:$0x3FB2] =	sst s7  }
0x10: {  	[smem:$0x3FB3] =	sst s8  }
0x11: {  	[smem:$0x3FB4] =	sst s9;
	s0 =	simm.s32 @!p0 $0x0  }
0x12: {  	s1 =	sld [smem:$0x3F9A];
	s0 =	simm.s32 @p0 $0x1  }
0x13: {  	[smem:$0x3FB5] =	sst s0;
	s0 =	simm.s32 @!p1 $0x0  }
0x14: {  	s2 =	sld [smem:$0x3F99];
	s0 =	simm.s32 @p1 $0x1  }
0x15: {  	[smem:$0x3FB6] =	sst s0;
	s0 =	simm.s32 @!p2 $0x0  }
0x16: {  	s3 =	sld [smem:$0x3FDB];
	s0 =	simm.s32 @p2 $0x1  }
0x17: {  	s4 =	simm.s32 $0x1BF5;
	[smem:$0x3FB8] =	sst s0  }
0x18: {  	s0 =	sld [smem:$0x3F9B];
	_ =	swait.ge [sflag:s4], $0x0  }
0x19: {  	s7 =	sld [smem:$0x3F9C]  }
0x1a: {  	s8 =	sadd.s32 $0xFFFFE003, lr  }
0x1b: {  	s9 =	sadd.s32 $0xFFFFFEF7, lr;
	s5 =	simm.s32 $0xFFFFFFFF;
	p2 =	slt.u32 s8, $0xFFFFF086  }
0x1c: {  	p1 =	slt.u32 s9, $0xF7A;
	s5 =	simm.s32 @!p2 $0x0  }
0x1d: {  	s5 =	simm.s32 @p1 $0x1;
	p0 =	seq.s32 s7, s2  }
0x1e: {  	s7 =	smul.u32 @!p0 $0xF7A, s2;
	p2 =	seq.s32 @!p0 s5, $0x0  }
0x1f: {  	s9 =	smul.u32 $0xF7A, s1;
	s8 =	simm.s32 @!p0 $0x1BF5;
	p2 =	por !p2, p0  }
0x20: {  	[sflag:s8] =	ssyncset.s32 @!p0 $0xFFFFF086;
	s6 =	sadd.s32 @!p0 s3, s7;
	s7 =	simm.s32 @!p0 $0x108  }
0x21: {  	s3 =	sadd.s32 s3, s9;
	s6 =	sadd.s32 @!p0 $0x88, s6;
	s7 =	simm.s32 @p2 $0x1082  }
0x22: {  	[simem:s7], [sflag:s8] =	dma.local @!p0 [hbm:s6], $0xF7A  }
0x23: {  	s9 =	sor.u32 $0xD0000000, s2;
	s6 =	simm.s32 $0x108;
	_ =	swait.ge @!p0 [sflag:s8], $0x0  }
0x24: {  	s3 =	sadd.s32 $0x88, s3;
	s6 =	simm.s32 @!p1 $0x1082;
	[sflag:s4] =	ssyncset.s32 $0xFFFFF086  }
0x25: {  	[simem:s6], [sflag:s4] =	dma.local [hbm:s3], $0xF7A  }
0x26: {  	[smem:$0x3F9C] =	sst s1;
	(tag) =	ssettag s2;
	_ =	strace s9  }
0x27: {  	s1 =	sld [smem:$0x3FAC]  }
0x28: {  	s2 =	sld [smem:$0x3FAD]  }
0x29: {  	s4 =	sld [smem:$0x3FAF]  }
0x2a: {  	p0 =	seq.s32 s5, $0x0;
	s5 =	sld [smem:$0x3FB0]  }
0x2b: {  	s6 =	sld [smem:$0x3FB1]  }
0x2c: {  	s7 =	sld [smem:$0x3FB2]  }
0x2d: {  	s3 =	simm.s32 $0x108;
	s8 =	sld [smem:$0x3FB3]  }
0x2e: {  	s3 =	simm.s32 @!p0 $0x1082;
	s9 =	sld [smem:$0x3FB4]  }
0x2f: {  	lr =	sadd.s32 s0, s3;
	s0 =	sld [smem:$0x3FAB]  }
0x30: {  	s3 =	sld [smem:$0x3FAE]  }
0x31: {  	[smem:$0x3FB7] =	sst s10  }
0x32: {  	s10 =	sld [smem:$0x3FB5];
	_ =	sdelay $0x3  }
0x33: {  	p0 =	seq.s32 s10, $0x1;
	s10 =	sld [smem:$0x3FB7];
	_ =	sdelay $0x3  }
0x34: {  	[smem:$0x3FB7] =	sst s10  }
0x35: {  	s10 =	sld [smem:$0x3FB6];
	_ =	sdelay $0x3  }
0x36: {  	p1 =	seq.s32 s10, $0x1;
	s10 =	sld [smem:$0x3FB7];
	_ =	sdelay $0x3  }
0x37: {  	[smem:$0x3FB7] =	sst s10  }
0x38: {  	s10 =	sld [smem:$0x3FB8]  }
0x39: {  	_ = 	snop;
	(pc) =	sbr.ind lr, $3  }
0x3a: {  	_ = 	snop  }
0x3b: {  	_ = 	snop  }
0x3c: {  	p2 =	seq.s32 s10, $0x1;
	s10 =	sld [smem:$0x3FB7]  }
0x3d: {  	_ =	shalt  }
0x3e: {  	_ =	shalt  }
0x3f: {  	_ =	shalt  }
0x40: {  	_ =	shalt  }
0x41: {  	_ =	shalt  }
0x42: {  	_ =	shalt  }
0x43: {  	_ =	shalt  }
0x44: {  	_ =	shalt  }
0x45: {  	_ =	shalt  }
0x46: {  	_ =	shalt  }
0x47: {  	_ =	shalt  }
0x48: {  	_ =	shalt  }
0x49: {  	_ =	shalt  }
0x4a: {  	_ =	shalt  }
0x4b: {  	_ =	shalt  }
0x4c: {  	_ =	shalt  }
0x4d: {  	_ =	shalt  }
0x4e: {  	_ =	shalt  }
0x4f: {  	_ =	shalt  }
0x50: {  	_ =	shalt  }
0x51: {  	_ =	shalt  }
0x52: {  	_ =	shalt  }
0x53: {  	_ =	shalt  }
0x54: {  	_ =	shalt  }
0x55: {  	_ =	shalt  }
0x56: {  	_ =	shalt  }
0x57: {  	_ =	shalt  }
0x58: {  	_ =	shalt  }
0x59: {  	_ =	shalt  }
0x5a: {  	_ =	shalt  }
0x5b: {  	_ =	shalt  }
0x5c: {  	_ =	shalt  }
0x5d: {  	_ =	shalt  }
0x5e: {  	_ =	shalt  }
0x5f: {  	_ =	shalt  }
0x60: {  	_ =	shalt  }
0x61: {  	_ =	shalt  }
0x62: {  	_ =	shalt  }
0x63: {  	_ =	shalt  }
0x64: {  	_ =	shalt  }
0x65: {  	_ =	shalt  }
0x66: {  	_ =	shalt  }
0x67: {  	_ =	shalt  }
0x68: {  	_ =	shalt  }
0x69: {  	_ =	shalt  }
0x6a: {  	_ =	shalt  }
0x6b: {  	_ =	shalt  }
0x6c: {  	_ =	shalt  }
0x6d: {  	_ =	shalt  }
0x6e: {  	_ =	shalt  }
0x6f: {  	_ =	shalt  }
0x70: {  	_ =	shalt  }
0x71: {  	_ =	shalt  }
0x72: {  	_ =	shalt  }
0x73: {  	_ =	shalt  }
0x74: {  	_ =	shalt  }
0x75: {  	_ =	shalt  }
0x76: {  	_ =	shalt  }
0x77: {  	_ =	shalt  }
0x78: {  	_ =	shalt  }
0x79: {  	_ =	shalt  }
0x7a: {  	_ =	shalt  }
0x7b: {  	_ =	shalt  }
0x7c: {  	_ =	shalt  }
0x7d: {  	_ =	shalt  }
0x7e: {  	_ =	shalt  }
0x7f: {  	_ =	shalt  }
0x80: {  	_ =	shalt  }
0x81: {  	_ =	shalt  }
0x82: {  	_ =	shalt  }
0x83: {  	_ =	shalt  }
0x84: {  	_ =	shalt  }
0x85: {  	_ =	shalt  }
0x86: {  	_ =	shalt  }
0x87: {  	_ =	shalt  }
.Lfunc_end0:
.L_simem_size_0:
called_computation.2_lowered:
.L_overlay_start_0:
0x88: {  	s2 =	sld [smem:$0x3FD9]  }
0x89: {  	s3 =	sld [smem:$0x3FFE];
	_ =	sdelay $0x1  }
0x8a: {  	s1 =	srdreg.scid  }
0x8b: {  	s0 =	sand.u32 $0x1, s1  }
0x8c: {  	s17 =	sshll.u32 s0, $0xA;
	s2 =	sadd.s32 s3, s2  }
0x8d: {  	s2 =	sadd.s32 s2, s17  }
0x8e: {  	[smem:$0x3FC3] =	sst s2  }
0x8f: {  	_ = 	snop  }
0x90: {  	s2 =	sld [smem:$0x3FC6]  }
0x91: {  	s18 =	sld [smem:$0x3FC5]  }
0x92: {  	s4 =	sld [smem:$0x3FD0];
	(tm) =	ssettm $0x1  }
0x93: {  	s5 =	sld [smem:$0x3FFB];
	_ =	sdelay $0x3  }
0x94: {  	_ =	strace s5  }
0x95: {  	s5 =	sld [smem:$0x3FFC];
	_ =	sdelay $0x3  }
0x96: {  	_ =	strace s5  }
0x97: {  	s5 =	sld [smem:$0x3FFD];
	_ =	sdelay $0x3  }
0x98: {  	_ =	strace s5  }
0x99: {  	_ =	strace $0x8FFFFFFF  }
0x9a: {  	s19 =	sld [smem:$0x3FDB];
	_ =	sdelay $0x1  }
0x9b: {  	s6 =	simm.s32 $_scs_section_size  }
0x9c: {  	s7 =	simm.s32 $_size__tile_overlayer_lowered;
	s8 =	simm.s32 $_tile_overlayer_lowered  }
0x9d: {  	s22 =	simm.s32 $0x1BFF;
	s21 =	sshll.u32 s8, $0x1;
	s5 =	sadd.s32 s6, s19  }
0x9e: {  	s9 =	simm.s32 $0x0;
	s20 =	sshll.u32 s7, $0x1;
	s7 =	sadd.s32 s21, s5  }
0x9f: {  	[timem:s9], [sflag:s22] =	dma.local [hbm:s7], s20  }
0xa0: {  	_ =	swait.ge [sflag:s22], s20  }
0xa1: {  	s6 =	ssub.s32 $0x0, s20;
	[sflag:s22] =	ssyncset.done $0x0  }
0xa2: {  	[sflag:s22] =	ssyncadd.s32 s6;
	_ =	sdelay $0x1  }
0xa3: {  	s23 =	simm.s32 $0x1B8B  }
0xa4: {  	_ =	swait.ge [sflag:s23], $0x1  }
0xa5: {  	[sflag:s23] =	ssyncset.done $0x0  }
0xa6: {  	s25 =	simm.s32 $0x1B8E;
	s24 =	sld [smem:$0x3FFE];
	[sflag:s23] =	ssyncadd.s32 $0xFFFFFFFF  }
0xa7: {  	s26 =	simm.s32 $execute0_lowered;
	[smem:$0x3FD2] =	sst s25  }
0xa8: {  	s7 =	sshll.u32 s26, $0x1;
	_ =	strace $0x8000004C;
	[dreg:$0x1] =	wrdreg $0xFFFFFFFF  }
0xa9: {  	s28 =	simm.s32 $_size_execute0_lowered;
	s5 =	sadd.s32 s5, s7;
	[dreg:$0x0] =	wrdreg $0x0  }
0xaa: {  	s7 =	sshll.u32 s28, $0x1;
	[dreg:$0x2] =	wrdreg s5  }
0xab: {  	[dreg:$0x3] =	wrdreg s7  }
0xac: {  	[dreg:$0x4] =	wrdreg $0xC0  }
0xad: {  	_ =	task [dreg:s9], $0x5FFFF  }
0xae: {  	[dreg:$0x1] =	wrdreg $0xFFFFFFFF  }
0xaf: {  	[dreg:$0x0] =	wrdreg $0x60  }
0xb0: {  	[dreg:$0x2] =	wrdreg s24  }
0xb1: {  	[dreg:$0x3] =	wrdreg s2  }
0xb2: {  	[dreg:$0x4] =	wrdreg s18  }
0xb3: {  	[dreg:$0x5] =	wrdreg s4  }
0xb4: {  	[dreg:$0x6] =	wrdreg $0x9  }
0xb5: {  	_ =	task.clear_ibuf [dreg:s9], $0x7FFFF;
	_ =	strace $0x9000004C  }
0xb6: {  	s29 =	simm.s32 $0x9;
	_ =	strace $0x8000004E  }
0xb7: {  	_ =	swait.ge [sflag:s29], $0x1  }
0xb8: {  	[sflag:s29] =	ssyncadd.s32 $0xFFFFFFFF  }
0xb9: {  	_ =	strace $0x9000004E  }
0xba: {  	_ =	sfence  }
0xbb: {  	s30 =	sld [smem:$0x0];
	_ =	sdelay $0x2  }
0xbc: {  	s31 =	sshll.u32 s1, $0xD;
	s1 =	sshrl.u32 s1, $0x2  }
0xbd: {  	s3 =	sand.u32 $0x4000, s31;
	s1 =	sadd.s32 s1, s30  }
0xbe: {  	s0 =	sor.u32 s3, s0;
	s1 =	sshll.u32 s1, $0x11  }
0xbf: {  	s0 =	sor.u32 s1, s0  }
0xc0: {  	s0 =	sadd.s32 $0x8F2B, s0  }
0xc1: {  	[sflag:s0] =	ssyncadd.remote.s32 $0x1  }
0xc2: {  	_ =	sfence.sel $0xFFFF  }
0xc3: {  	[dreg:$0x0] =	wrdreg $0xFFFFFFFF;
	(pc) =	sbr.abs _section_cstart, $3  }
0xc4: {  	[dreg:$0x1] =	wrdreg $0xFFFFFFFF  }
0xc5: {  	_ =	task.clear_ibuf [dreg:s9], $0x2FFFF;
	_ =	strace $0x9FFFFFFF  }
0xc6: {  	(tm) =	ssettm $0x7FFFFFFF  }
0xc7: {  	_ =	shalt  }
tec
execute0_lowered:
.L_overlay_start_1:
0x0: {  	(tag) =	ssettag $0x1  }
0x1: {  	s5 =	rddreg [dreg:$0x0]  }
0x2: {  	s1 =	rddreg [dreg:$0x1]  }
0x3: {  	s6 =	rddreg [dreg:$0x2]  }
0x4: {  	s7 =	rddreg [dreg:$0x3]  }
0x5: {  	s0 =	rddreg [dreg:$0x4];
	s2 =	simm.s32 $0x0;
	s3 =	srdreg.scid  }
0x6: {  	s12 =	simm.s32 $0x6000;
	s13 =	simm.s32 $0x8000;
	s14 =	simm.s32 $0x1  }
0x7: {  	s15 =	simm.s32 $0x2;
	s16 =	simm.s32 $0xA000;
	s17 =	simm.s32 $0x0  }
0x8: {  	[smem:$0x7FF] =	sst s2;
	s8 =	sand.u32 $0x1, s3;
	s4 =	sadd.s32 $0x11000, s5  }
0x9: {  	s3 =	stileid.u32;
	s5 =	sadd.s32 $0x4E200, s5;
	_ =	strace $0x8000004D  }
0xa: {  	s9 =	ssub.s32 $0x2, s8;
	s8 =	sshll.u32 s8, $0xE;
	s11 =	sshll.u32 s3, $0xA  }
0xb: {  	s10 =	sshrl.u32 s9, $0x1;
	s8 =	sor.u32 s11, s8;
	s11 =	simm.s32 $0x2000  }
0xc: {  	s9 =	ssub.s32 s9, s10;
	s6 =	sadd.s32 s6, s8;
	s7 =	sadd.s32 s7, s8  }
0xd: {  	s10 =	simm.s32 $0x3;
	s8 =	smax.u32 s9, $0x1;
	s9 =	simm.s32 $0x4000  }
.LBB2_1:
0xe: {  	[tilespmem:s9], [sflag:$0x3] =	stream.linear.gather [hbm4b:s6+s2], $0x2000, $0x38;
	[tilespmem:$0xC000] =	vst v63  }
0xf: {  	_ =	swait.ge [sflag:s10], $0x2000  }
0x10: {  	[sflag:s10] =	ssyncset.done $0x0  }
0x11: {  	[sflag:s10] =	ssyncadd.s32 $0xFFFFE000  }
0x12: {  	[tilespmem:s12], [sflag:$0x1] =	stream.indirect.gather [hbm4b:s4+s11], $0x1, s9, s11, $0xb8;
	[tilespmem:$0xC000] =	vst v63  }
0x13: {  	_ = 	snop  }
0x14: {  	[tilespmem:s13], [sflag:$0x2] =	stream.indirect.gather [hbm4b:s1+s11], $0x1, s9, s11, $0xb8;
	[tilespmem:$0xC000] =	vst v63  }
0x15: {  	_ = 	snop  }
0x16: {  	[tilespmem:s2], [sflag:$0x3] =	stream.linear.gather [hbm4b:s5+s2], $0x4000, $0x38;
	[tilespmem:$0xC000] =	vst v63  }
0x17: {  	_ =	swait.ge [sflag:s10], $0x4000  }
0x18: {  	[sflag:s10] =	ssyncset.done $0x0  }
0x19: {  	[sflag:s10] =	ssyncadd.s32 $0xFFFFC000  }
0x1a: {  	_ =	swait.ge [sflag:s14], $0x2000  }
0x1b: {  	[sflag:s14] =	ssyncset.done $0x0  }
0x1c: {  	[sflag:s14] =	ssyncadd.s32 $0xFFFFE000  }
0x1d: {  	_ =	swait.ge [sflag:s15], $0x2000  }
0x1e: {  	[sflag:s15] =	ssyncset.done $0x0  }
0x1f: {  	s18 =	simm.s32 $0x0;
	[sflag:s15] =	ssyncadd.s32 $0xFFFFE000  }
0x20: {  	v0 =	vld [tilespmem:s18+$0x8000];
	_ =	sdelay $0x6  }
0x21: {  	v1 =	vld [tilespmem:s18+$0x6000]  }
0x22: {  	v0 =	vld.idx.msk [tilespmem:v0+s2+$0x0], $0xffff;
	_ =	sdelay $0x2  }
0x23: {  	s19 =	simm.s32 $0x10;
	s20 =	simm.s32 $0x80  }
.LBB2_2:
0x24: {  	p0 =	sne.s32 s20, $0x7FC0;
	v2 =	vld [tilespmem:s19+$0x8000]  }
0x25: {  	v0 =	vmul.f32 v1, v0;
	_ =	sdelay $0x1  }
0x26: {  	v1 =	vsub.f32 $1.000000000e+00, v0;
	_ =	sdelay $0x1  }
0x27: {  	v0 =	vadd.f32 v1, v0;
	_ =	sdelay $0x1  }
0x28: {  	[tilespmem:s18+$0xA000] =	vst v0;
	s18 =	smov.u32 s19  }
.Ltmp0:
0x29: {  	v0 =	vld.idx.msk [tilespmem:v2+s2+$0x0], $0xffff;
	(pc) =	sbr.rel @p0 .LBB2_2-.Ltmp0, $2  }
0x2a: {  	v1 =	vld [tilespmem:s18+$0x6000];
	_ =	sdelay $0x2  }
0x2b: {  	s19 =	sshra.s32 s20, $0x2;
	s20 =	sadd.s32 $0x40, s20  }
0x2c: {  	v2 =	vld [tilespmem:s19+$0x8000]  }
0x2d: {  	v0 =	vmul.f32 v1, v0;
	_ =	sdelay $0x1  }
0x2e: {  	v1 =	vsub.f32 $1.000000000e+00, v0;
	_ =	sdelay $0x1  }
0x2f: {  	v0 =	vadd.f32 v1, v0;
	_ =	sdelay $0x1  }
0x30: {  	[tilespmem:s18+$0xA000] =	vst v0  }
0x31: {  	v0 =	vld.idx.msk [tilespmem:v2+s2+$0x0], $0xffff  }
0x32: {  	v63 =	vld [tilespmem:s19+$0x6000];
	_ =	sdelay $0x4  }
0x33: {  	v0 =	vmul.f32 v63, v0;
	_ =	sdelay $0x1  }
0x34: {  	v1 =	vsub.f32 $1.000000000e+00, v0;
	_ =	sdelay $0x1  }
0x35: {  	s17 =	sadd.s32 $0x1, s17;
	v0 =	vadd.f32 v1, v0  }
0x36: {  	p0 =	sne.s32 s17, s8  }
.Ltmp1:
0x37: {  	[tilespmem:s19+$0xA000] =	vst v0;
	(pc) =	sbr.rel @p0 .LBB2_1-.Ltmp1, $4  }
0x38: {  	[hbm4b:s7+s2] =	stream.linear.scatter [tilespmem:s16], [sflag:$0x3], $0x2000, $0x38;
	[tilespmem:$0xC000] =	vst v63  }
0x39: {  	_ =	swait.ge [sflag:s10], $0x2000  }
0x3a: {  	[sflag:s10] =	ssyncset.done $0x0  }
0x3b: {  	[sflag:s10] =	ssyncadd.s32 $0xFFFFE000  }
0x3c: {  	_ =	sfence.sel $0x180000  }
0x3d: {  	[bflag:$0x0] =	sbarrier.arrive $0xFFFF  }
0x3e: {  	p0 =	sne.s32 s3, $0x0;
	_ =	strace $0x9000004D  }
0x3f: {  	s0 =	sadd.s32 @!p0 $0x100000, s0;
	[bflag:$0x2] =	sbarrier.arrive $0xFFFF  }
0x40: {  	[sflag:s0] =	ssyncadd.tile.s32 @!p0 $0x1;
	_ =	shalt  }
.Lfunc_end2:
_tile_overlayer_lowered:
.L_overlay_start_2:
0x41: {  	(tag) =	ssettag $0x2  }
0x42: {  	s0 =	rddreg [dreg:$0x0];
	s2 =	stileid.u32  }
0x43: {  	s1 =	rddreg [dreg:$0x1];
	p0 =	sne.s32 s2, $0x0  }
0x44: {  	s3 =	rddreg [dreg:$0x2];
	[bflag:$0x3] =	sbarrier.arrive $0xFFFF;
	s2 =	simm.s32 @!p0 $0x1C03  }
0x45: {  	[timem:s3], [sflag:s2] =	dma.local @!p0 [hbm:s0], s1  }
0x46: {  	s0 =	simm.s32 @!p0 $0x3  }
0x47: {  	_ =	swait.ge @!p0 [sflag:s0], s1  }
0x48: {  	s1 =	ssub.s32 @!p0 $0x0, s1;
	[sflag:s0] =	ssyncset.done @!p0 $0x0  }
0x49: {  	[sflag:s0] =	ssyncadd.s32 @!p0 s1  }
0x4a: {  	[bflag:$0x3] =	sbarrier.arrive $0xFFFF  }
0x4b: {  	_ =	shalt  }

// kernel: kernel.5.cloned.1.call-start
scs
__scs_entry_jumppad:
0x0: {  	(pc) =	sbr.rel $0x88, $3  }
0x1: {  	(tag) =	ssettag $0x0;
	lr =	simm.s32 $0x1  }
0x2: {  	[smem:$0x3F9C] =	sst lr;
	_ =	strace $0xD0000000  }
0x3: {  	_ = 	snop  }
0x4: {  	_ = 	snop  }
0x5: {  	_ = 	snop  }
0x6: {  	_ = 	snop  }
0x7: {  	_ = 	snop  }
__scs_overlays_trampoline_lowered:
0x8: {  	[smem:$0x3FAB] =	sst s0  }
0x9: {  	[smem:$0x3FAC] =	sst s1  }
0xa: {  	[smem:$0x3FAD] =	sst s2  }
0xb: {  	[smem:$0x3FAE] =	sst s3  }
0xc: {  	[smem:$0x3FAF] =	sst s4  }
0xd: {  	[smem:$0x3FB0] =	sst s5  }
0xe: {  	[smem:$0x3FB1] =	sst s6  }
0xf: {  	[smem:$0x3FB2] =	sst s7  }
0x10: {  	[smem:$0x3FB3] =	sst s8  }
0x11: {  	[smem:$0x3FB4] =	sst s9;
	s0 =	simm.s32 @!p0 $0x0  }
0x12: {  	s1 =	sld [smem:$0x3F9A];
	s0 =	simm.s32 @p0 $0x1  }
0x13: {  	[smem:$0x3FB5] =	sst s0;
	s0 =	simm.s32 @!p1 $0x0  }
0x14: {  	s2 =	sld [smem:$0x3F99];
	s0 =	simm.s32 @p1 $0x1  }
0x15: {  	[smem:$0x3FB6] =	sst s0;
	s0 =	simm.s32 @!p2 $0x0  }
0x16: {  	s3 =	sld [smem:$0x3FDB];
	s0 =	simm.s32 @p2 $0x1  }
0x17: {  	s4 =	simm.s32 $0x1BF5;
	[smem:$0x3FB8] =	sst s0  }
0x18: {  	s0 =	sld [smem:$0x3F9B];
	_ =	swait.ge [sflag:s4], $0x0  }
0x19: {  	s7 =	sld [smem:$0x3F9C]  }
0x1a: {  	s8 =	sadd.s32 $0xFFFFE003, lr  }
0x1b: {  	s9 =	sadd.s32 $0xFFFFFEF7, lr;
	s5 =	simm.s32 $0xFFFFFFFF;
	p2 =	slt.u32 s8, $0xFFFFF086  }
0x1c: {  	p1 =	slt.u32 s9, $0xF7A;
	s5 =	simm.s32 @!p2 $0x0  }
0x1d: {  	s5 =	simm.s32 @p1 $0x1;
	p0 =	seq.s32 s7, s2  }
0x1e: {  	s7 =	smul.u32 @!p0 $0xF7A, s2;
	p2 =	seq.s32 @!p0 s5, $0x0  }
0x1f: {  	s9 =	smul.u32 $0xF7A, s1;
	s8 =	simm.s32 @!p0 $0x1BF5;
	p2 =	por !p2, p0  }
0x20: {  	[sflag:s8] =	ssyncset.s32 @!p0 $0xFFFFF086;
	s6 =	sadd.s32 @!p0 s3, s7;
	s7 =	simm.s32 @!p0 $0x108  }
0x21: {  	s3 =	sadd.s32 s3, s9;
	s6 =	sadd.s32 @!p0 $0x88, s6;
	s7 =	simm.s32 @p2 $0x1082  }
0x22: {  	[simem:s7], [sflag:s8] =	dma.local @!p0 [hbm:s6], $0xF7A  }
0x23: {  	s9 =	sor.u32 $0xD0000000, s2;
	s6 =	simm.s32 $0x108;
	_ =	swait.ge @!p0 [sflag:s8], $0x0  }
0x24: {  	s3 =	sadd.s32 $0x88, s3;
	s6 =	simm.s32 @!p1 $0x1082;
	[sflag:s4] =	ssyncset.s32 $0xFFFFF086  }
0x25: {  	[simem:s6], [sflag:s4] =	dma.local [hbm:s3], $0xF7A  }
0x26: {  	[smem:$0x3F9C] =	sst s1;
	(tag) =	ssettag s2;
	_ =	strace s9  }
0x27: {  	s1 =	sld [smem:$0x3FAC]  }
0x28: {  	s2 =	sld [smem:$0x3FAD]  }
0x29: {  	s4 =	sld [smem:$0x3FAF]  }
0x2a: {  	p0 =	seq.s32 s5, $0x0;
	s5 =	sld [smem:$0x3FB0]  }
0x2b: {  	s6 =	sld [smem:$0x3FB1]  }
0x2c: {  	s7 =	sld [smem:$0x3FB2]  }
0x2d: {  	s3 =	simm.s32 $0x108;
	s8 =	sld [smem:$0x3FB3]  }
0x2e: {  	s3 =	simm.s32 @!p0 $0x1082;
	s9 =	sld [smem:$0x3FB4]  }
0x2f: {  	lr =	sadd.s32 s0, s3;
	s0 =	sld [smem:$0x3FAB]  }
0x30: {  	s3 =	sld [smem:$0x3FAE]  }
0x31: {  	[smem:$0x3FB7] =	sst s10  }
0x32: {  	s10 =	sld [smem:$0x3FB5];
	_ =	sdelay $0x3  }
0x33: {  	p0 =	seq.s32 s10, $0x1;
	s10 =	sld [smem:$0x3FB7];
	_ =	sdelay $0x3  }
0x34: {  	[smem:$0x3FB7] =	sst s10  }
0x35: {  	s10 =	sld [smem:$0x3FB6];
	_ =	sdelay $0x3  }
0x36: {  	p1 =	seq.s32 s10, $0x1;
	s10 =	sld [smem:$0x3FB7];
	_ =	sdelay $0x3  }
0x37: {  	[smem:$0x3FB7] =	sst s10  }
0x38: {  	s10 =	sld [smem:$0x3FB8]  }
0x39: {  	_ = 	snop;
	(pc) =	sbr.ind lr, $3  }
0x3a: {  	_ = 	snop  }
0x3b: {  	_ = 	snop  }
0x3c: {  	p2 =	seq.s32 s10, $0x1;
	s10 =	sld [smem:$0x3FB7]  }
0x3d: {  	_ =	shalt  }
0x3e: {  	_ =	shalt  }
0x3f: {  	_ =	shalt  }
0x40: {  	_ =	shalt  }
0x41: {  	_ =	shalt  }
0x42: {  	_ =	shalt  }
0x43: {  	_ =	shalt  }
0x44: {  	_ =	shalt  }
0x45: {  	_ =	shalt  }
0x46: {  	_ =	shalt  }
0x47: {  	_ =	shalt  }
0x48: {  	_ =	shalt  }
0x49: {  	_ =	shalt  }
0x4a: {  	_ =	shalt  }
0x4b: {  	_ =	shalt  }
0x4c: {  	_ =	shalt  }
0x4d: {  	_ =	shalt  }
0x4e: {  	_ =	shalt  }
0x4f: {  	_ =	shalt  }
0x50: {  	_ =	shalt  }
0x51: {  	_ =	shalt  }
0x52: {  	_ =	shalt  }
0x53: {  	_ =	shalt  }
0x54: {  	_ =	shalt  }
0x55: {  	_ =	shalt  }
0x56: {  	_ =	shalt  }
0x57: {  	_ =	shalt  }
0x58: {  	_ =	shalt  }
0x59: {  	_ =	shalt  }
0x5a: {  	_ =	shalt  }
0x5b: {  	_ =	shalt  }
0x5c: {  	_ =	shalt  }
0x5d: {  	_ =	shalt  }
0x5e: {  	_ =	shalt  }
0x5f: {  	_ =	shalt  }
0x60: {  	_ =	shalt  }
0x61: {  	_ =	shalt  }
0x62: {  	_ =	shalt  }
0x63: {  	_ =	shalt  }
0x64: {  	_ =	shalt  }
0x65: {  	_ =	shalt  }
0x66: {  	_ =	shalt  }
0x67: {  	_ =	shalt  }
0x68: {  	_ =	shalt  }
0x69: {  	_ =	shalt  }
0x6a: {  	_ =	shalt  }
0x6b: {  	_ =	shalt  }
0x6c: {  	_ =	shalt  }
0x6d: {  	_ =	shalt  }
0x6e: {  	_ =	shalt  }
0x6f: {  	_ =	shalt  }
0x70: {  	_ =	shalt  }
0x71: {  	_ =	shalt  }
0x72: {  	_ =	shalt  }
0x73: {  	_ =	shalt  }
0x74: {  	_ =	shalt  }
0x75: {  	_ =	shalt  }
0x76: {  	_ =	shalt  }
0x77: {  	_ =	shalt  }
0x78: {  	_ =	shalt  }
0x79: {  	_ =	shalt  }
0x7a: {  	_ =	shalt  }
0x7b: {  	_ =	shalt  }
0x7c: {  	_ =	shalt  }
0x7d: {  	_ =	shalt  }
0x7e: {  	_ =	shalt  }
0x7f: {  	_ =	shalt  }
0x80: {  	_ =	shalt  }
0x81: {  	_ =	shalt  }
0x82: {  	_ =	shalt  }
0x83: {  	_ =	shalt  }
0x84: {  	_ =	shalt  }
0x85: {  	_ =	shalt  }
0x86: {  	_ =	shalt  }
0x87: {  	_ =	shalt  }
.Lfunc_end0:
.L_simem_size_0:
called_computation_lowered:
.L_overlay_start_0:
0x88: {  	s2 =	sld [smem:$0x3FD9]  }
0x89: {  	s3 =	sld [smem:$0x3FFE];
	_ =	sdelay $0x1  }
0x8a: {  	s1 =	srdreg.scid  }
0x8b: {  	s0 =	sand.u32 $0x1, s1  }
0x8c: {  	s17 =	sshll.u32 s0, $0xA;
	s2 =	sadd.s32 s3, s2  }
0x8d: {  	s2 =	sadd.s32 s2, s17  }
0x8e: {  	[smem:$0x3FC3] =	sst s2  }
0x8f: {  	_ = 	snop  }
0x90: {  	s2 =	sld [smem:$0x3FC9]  }
0x91: {  	s18 =	sld [smem:$0x3FC8]  }
0x92: {  	s4 =	sld [smem:$0x3FC7]  }
0x93: {  	s5 =	sld [smem:$0x3FC6];
	(tm) =	ssettm $0x1  }
0x94: {  	s6 =	sld [smem:$0x3FFB];
	_ =	sdelay $0x3  }
0x95: {  	_ =	strace s6  }
0x96: {  	s6 =	sld [smem:$0x3FFC];
	_ =	sdelay $0x3  }
0x97: {  	_ =	strace s6  }
0x98: {  	s6 =	sld [smem:$0x3FFD];
	_ =	sdelay $0x3  }
0x99: {  	_ =	strace s6  }
0x9a: {  	_ =	strace $0x8FFFFFFF  }
0x9b: {  	s19 =	sld [smem:$0x3FDB];
	_ =	sdelay $0x1  }
0x9c: {  	s7 =	simm.s32 $_scs_section_size  }
0x9d: {  	s8 =	simm.s32 $_size__tile_overlayer_lowered;
	s9 =	simm.s32 $_tile_overlayer_lowered  }
0x9e: {  	s22 =	simm.s32 $0x1BFF;
	s21 =	sshll.u32 s9, $0x1;
	s6 =	sadd.s32 s7, s19  }
0x9f: {  	s10 =	simm.s32 $0x0;
	s20 =	sshll.u32 s8, $0x1;
	s8 =	sadd.s32 s21, s6  }
0xa0: {  	[timem:s10], [sflag:s22] =	dma.local [hbm:s8], s20  }
0xa1: {  	_ =	swait.ge [sflag:s22], s20  }
0xa2: {  	s7 =	ssub.s32 $0x0, s20;
	[sflag:s22] =	ssyncset.done $0x0  }
0xa3: {  	[sflag:s22] =	ssyncadd.s32 s7;
	_ =	sdelay $0x1  }
0xa4: {  	s23 =	simm.s32 $0x1B8B  }
0xa5: {  	_ =	swait.ge [sflag:s23], $0x1  }
0xa6: {  	[sflag:s23] =	ssyncset.done $0x0  }
0xa7: {  	s25 =	simm.s32 $0x1B8E;
	s24 =	sld [smem:$0x3FFE];
	[sflag:s23] =	ssyncadd.s32 $0xFFFFFFFF  }
0xa8: {  	s26 =	simm.s32 $execute0_lowered;
	[smem:$0x3FD2] =	sst s25  }
0xa9: {  	s8 =	sshll.u32 s26, $0x1;
	_ =	strace $0x80000046;
	[dreg:$0x1] =	wrdreg $0xFFFFFFFF  }
0xaa: {  	s28 =	simm.s32 $_size_execute0_lowered;
	s6 =	sadd.s32 s6, s8;
	[dreg:$0x0] =	wrdreg $0x0  }
0xab: {  	s8 =	sshll.u32 s28, $0x1;
	[dreg:$0x2] =	wrdreg s6  }
0xac: {  	[dreg:$0x3] =	wrdreg s8  }
0xad: {  	[dreg:$0x4] =	wrdreg $0xC0  }
0xae: {  	_ =	task [dreg:s10], $0x5FFFF  }
0xaf: {  	[dreg:$0x1] =	wrdreg $0xFFFFFFFF  }
0xb0: {  	[dreg:$0x0] =	wrdreg $0x60  }
0xb1: {  	[dreg:$0x2] =	wrdreg s4  }
0xb2: {  	[dreg:$0x3] =	wrdreg s18  }
0xb3: {  	[dreg:$0x4] =	wrdreg s5  }
0xb4: {  	[dreg:$0x5] =	wrdreg s2  }
0xb5: {  	[dreg:$0x6] =	wrdreg s24  }
0xb6: {  	[dreg:$0x7] =	wrdreg $0x9  }
0xb7: {  	_ =	task.clear_ibuf [dreg:s10], $0x8FFFF;
	_ =	strace $0x90000046  }
0xb8: {  	s29 =	simm.s32 $0x9;
	_ =	strace $0x80000048  }
0xb9: {  	_ =	swait.ge [sflag:s29], $0x1  }
0xba: {  	[sflag:s29] =	ssyncadd.s32 $0xFFFFFFFF  }
0xbb: {  	_ =	strace $0x90000048  }
0xbc: {  	_ =	sfence  }
0xbd: {  	s30 =	sld [smem:$0x0];
	_ =	sdelay $0x2  }
0xbe: {  	s31 =	sshll.u32 s1, $0xD;
	s1 =	sshrl.u32 s1, $0x2  }
0xbf: {  	s3 =	sand.u32 $0x4000, s31;
	s1 =	sadd.s32 s1, s30  }
0xc0: {  	s0 =	sor.u32 s3, s0;
	s1 =	sshll.u32 s1, $0x11  }
0xc1: {  	s0 =	sor.u32 s1, s0  }
0xc2: {  	s0 =	sadd.s32 $0x8F2B, s0  }
0xc3: {  	[sflag:s0] =	ssyncadd.remote.s32 $0x1  }
0xc4: {  	_ =	sfence.sel $0xFFFF  }
0xc5: {  	[dreg:$0x0] =	wrdreg $0xFFFFFFFF;
	(pc) =	sbr.abs _section_cstart, $3  }
0xc6: {  	[dreg:$0x1] =	wrdreg $0xFFFFFFFF  }
0xc7: {  	_ =	task.clear_ibuf [dreg:s10], $0x2FFFF;
	_ =	strace $0x9FFFFFFF  }
0xc8: {  	(tm) =	ssettm $0x7FFFFFFF  }
0xc9: {  	_ =	shalt  }
tec
execute0_lowered:
.L_overlay_start_1:
0x0: {  	(tag) =	ssettag $0x1  }
0x1: {  	s0 =	rddreg [dreg:$0x0]  }
0x2: {  	s1 =	rddreg [dreg:$0x1]  }
0x3: {  	s4 =	rddreg [dreg:$0x2]  }
0x4: {  	s2 =	rddreg [dreg:$0x3]  }
0x5: {  	s5 =	rddreg [dreg:$0x4]  }
0x6: {  	s3 =	simm.s32 $0x0;
	s9 =	stileid.u32;
	s6 =	srdreg.scid  }
0x7: {  	s29 =	simm.s32 $0x2;
	s28 =	simm.s32 $0xE000;
	[smem:$0x7FF] =	sst s3  }
0x8: {  	s7 =	sshll.u32 s9, $0x4;
	s6 =	sand.u32 $0x1, s6;
	_ =	strace $0x80000047  }
0x9: {  	s7 =	sand.u32 $0x70, s7;
	s8 =	sshll.u32 s6, $0x4;
	s6 =	ssub.s32 $0x2, s6  }
0xa: {  	s7 =	sadd.s32 s7, s5;
	s8 =	sor.u32 s9, s8;
	s10 =	sshrl.u32 s6, $0x1  }
0xb: {  	s9 =	sadd.s32 $0x11000, s5;
	s11 =	sshll.u32 s8, $0xD;
	s6 =	ssub.s32 s6, s10  }
0xc: {  	p0 =	sgt.u32 s8, $0x1D;
	p4 =	sne.s32 s8, $0x1F;
	s25 =	sshll.u32 s8, $0xB  }
0xd: {  	p1 =	seq.s32 s8, $0x1F;
	s19 =	sor.u32 $0x400, s11;
	s17 =	sadd.s32 s0, s11  }
0xe: {  	p2 =	slt.u32 s8, $0x1E;
	s12 =	sadd.s32 s0, s19;
	[dreg:$0xe] =	wrdreg s17  }
0xf: {  	p3 =	sne.s32 s8, $0x1E;
	s13 =	sadd.s32 s1, s19;
	[smem:$0x7F9] =	sst s12  }
0x10: {  	s22 =	sor.u32 $0x1000, s11;
	s10 =	sadd.s32 s4, s19;
	[smem:$0x7FA] =	sst s13  }
0x11: {  	s20 =	sor.u32 $0x800, s11;
	s24 =	sadd.s32 s0, s22;
	[smem:$0x7FB] =	sst s10  }
0x12: {  	s26 =	sor.u32 $0x1400, s11;
	s16 =	sadd.s32 s1, s22;
	[dreg:$0x7] =	wrdreg s24  }
0x13: {  	s15 =	sadd.s32 s0, s20;
	s14 =	sadd.s32 s4, s26;
	[dreg:$0x8] =	wrdreg s16  }
0x14: {  	s23 =	sadd.s32 s1, s20;
	s19 =	sadd.s32 s1, s11;
	[dreg:$0xc] =	wrdreg s14  }
0x15: {  	s30 =	sadd.s32 s4, s20;
	s20 =	sadd.s32 s4, s11;
	[dreg:$0xf] =	wrdreg s19  }
0x16: {  	s21 =	sor.u32 $0xC00, s11;
	s17 =	sadd.s32 $0x3D000, s1;
	[dreg:$0x10] =	wrdreg s20  }
0x17: {  	p4 =	por !p0, !p4;
	s10 =	sadd.s32 s4, s21;
	[dreg:$0x1b] =	wrdreg s17  }
0x18: {  	s31 =	sadd.s32 s0, s21;
	s12 =	sadd.s32 s4, s22;
	[dreg:$0x6] =	wrdreg s10  }
0x19: {  	s18 =	sadd.s32 s1, s21;
	s13 =	sadd.s32 s1, s26;
	[dreg:$0x9] =	wrdreg s12  }
0x1a: {  	p4 =	por !p4, !p4;
	s16 =	sadd.s32 s9, s26;
	[dreg:$0xb] =	wrdreg s13  }
0x1b: {  	s21 =	sor.u32 $0x1800, s11;
	s19 =	sadd.s32 $0x3D000, s4;
	[dreg:$0xd] =	wrdreg s16  }
0x1c: {  	s22 =	sor.u32 $0x1C00, s11;
	s20 =	sadd.s32 $0x4E000, s5;
	[dreg:$0x1c] =	wrdreg s19  }
0x1d: {  	s17 =	simm.s32 $0x1;
	s12 =	sadd.s32 s0, s26;
	[dreg:$0x1d] =	wrdreg s20  }
0x1e: {  	s5 =	simm.s32 $0x5;
	s24 =	sadd.s32 s0, s21;
	[dreg:$0xa] =	wrdreg s12  }
0x1f: {  	s10 =	sand.u32 $0xC000, s25;
	s25 =	sadd.s32 s1, s21;
	[dreg:$0x12] =	wrdreg s24  }
0x20: {  	s26 =	sadd.s32 s4, s21;
	s8 =	sadd.s32 s9, s21;
	[dreg:$0x13] =	wrdreg s25  }
0x21: {  	s13 =	sadd.s32 s0, s22;
	s14 =	sadd.s32 s1, s22;
	[dreg:$0x14] =	wrdreg s26  }
0x22: {  	s16 =	sadd.s32 s4, s22;
	s0 =	sadd.s32 $0x3D000, s0;
	[dreg:$0x15] =	wrdreg s8  }
0x23: {  	s4 =	simm.s32 $0x6000;
	s1 =	simm.s32 $0x80;
	[dreg:$0x17] =	wrdreg s13  }
0x24: {  	s20 =	simm.s32 $0x9;
	s7 =	sadd.s32 s10, s7;
	[dreg:$0x18] =	wrdreg s14  }
0x25: {  	s12 =	sadd.s32 s9, s11;
	s11 =	sadd.s32 s9, s22;
	[dreg:$0x19] =	wrdreg s16  }
0x26: {  	[dreg:$0x1a] =	wrdreg s0;
	s24 =	smax.u32 s6, $0x1;
	s16 =	simm.s32 $0x8000  }
0x27: {  	s0 =	simm.s32 $0x2000;
	s10 =	simm.s32 $0xC000;
	s6 =	simm.s32 $0x3  }
0x28: {  	s13 =	simm.s32 $0x10000;
	s8 =	simm.s32 $0x6;
	s9 =	simm.s32 $0x4  }
0x29: {  	s14 =	simm.s32 $0x400;
	[dreg:$0x16] =	wrdreg s11;
	s19 =	sadd.s32 $0x1000, s7  }
.Ltmp0:
0x2a: {  	s21 =	sadd.s32 $0x400, s12;
	[dreg:$0x11] =	wrdreg s12;
	(pc) =	sbr.rel .LBB2_1-.Ltmp0, $4  }
0x2b: {  	s22 =	sadd.s32 $0x800, s12;
	s25 =	sadd.s32 $0xC00, s12;
	[dreg:$0x1e] =	wrdreg s21  }
0x2c: {  	s26 =	sadd.s32 $0x1000, s12;
	s7 =	simm.s32 $0xA000;
	[dreg:$0x1f] =	wrdreg s22  }
0x2d: {  	s11 =	simm.s32 $0x7;
	s12 =	simm.s32 $0x8;
	[smem:$0x7FC] =	sst s25  }
0x2e: {  	v0 =	vimm.f32 $0.0e+00;
	[smem:$0x7FD] =	sst s26;
	s26 =	simm.s32 $0x4000;
	s21 =	simm.s32 $0x0  }
.LBB2_5:
0x2f: {  	s22 =	simm.s32 @p4 $0x7  }
0x30: {  	_ =	swait.ge @p4 [sflag:s22], $0x2000  }
0x31: {  	[sflag:s22] =	ssyncset.done @p4 $0x0  }
0x32: {  	[sflag:s22] =	ssyncadd.s32 @p4 $0xFFFFE000;
	s22 =	simm.s32 @p4 $0x8  }
0x33: {  	_ =	swait.ge @p4 [sflag:s22], $0x2000  }
0x34: {  	[sflag:s22] =	ssyncset.done @p4 $0x0  }
0x35: {  	s25 =	rddreg [dreg:$0x1a];
	[sflag:s22] =	ssyncadd.s32 @p4 $0xFFFFE000;
	s22 =	simm.s32 @!p3 $0x0  }
0x36: {  	[tilespmem:s22], [sflag:$0x9] =	stream.linear.gather @!p3 [hbm4b:s25+s22], $0x480, $0x38;
	[tilespmem:$0x18080] =	vst v63  }
0x37: {  	s25 =	simm.s32 @!p3 $0x9  }
0x38: {  	_ =	swait.ge @!p3 [sflag:s25], $0x480  }
0x39: {  	[sflag:s25] =	ssyncset.done @!p3 $0x0  }
0x3a: {  	s26 =	simm.s32 @!p3 $0x480;
	s28 =	simm.s32 @!p3 $0xC000;
	[sflag:s25] =	ssyncadd.s32 @!p3 $0xFFFFFB80  }
0x3b: {  	[tilespmem:s28], [sflag:$0x5] =	stream.indirect.gather @!p3 [hbm4b:s2+s26], $0x1, s22, s26, $0xb8;
	[tilespmem:$0x18080] =	vst v63  }
0x3c: {  	s26 =	simm.s32 @!p3 $0x4000;
	s28 =	rddreg [dreg:$0x1b]  }
0x3d: {  	[tilespmem:s26], [sflag:$0x9] =	stream.linear.gather @!p3 [hbm4b:s28+s22], $0x480, $0x38;
	[tilespmem:$0x18080] =	vst v63  }
0x3e: {  	_ =	swait.ge @!p3 [sflag:s25], $0x480  }
0x3f: {  	s1 =	smov.u32 s18;
	s16 =	smov.u32 s31;
	[sflag:s25] =	ssyncset.done @!p3 $0x0  }
0x40: {  	s26 =	simm.s32 @!p3 $0x8000;
	s28 =	rddreg [dreg:$0x1c];
	[sflag:s25] =	ssyncadd.s32 @!p3 $0xFFFFFB80  }
0x41: {  	[tilespmem:s26], [sflag:$0x9] =	stream.linear.gather @!p3 [hbm4b:s28+s22], $0x480, $0x38;
	[tilespmem:$0x18080] =	vst v63  }
0x42: {  	s31 =	smov.u32 s30;
	s30 =	smov.u32 s23;
	_ =	swait.ge @!p3 [sflag:s25], $0x480  }
0x43: {  	s4 =	simm.s32 $0x6000;
	s7 =	simm.s32 $0xA000;
	[sflag:s25] =	ssyncset.done @!p3 $0x0  }
0x44: {  	s10 =	simm.s32 $0xC000;
	s26 =	simm.s32 @!p3 $0x5;
	[sflag:s25] =	ssyncadd.s32 @!p3 $0xFFFFFB80  }
0x45: {  	s13 =	simm.s32 $0x10000;
	s14 =	simm.s32 $0x400;
	_ =	swait.ge @!p3 [sflag:s26], $0x480  }
0x46: {  	s23 =	smov.u32 s30;
	s30 =	smov.u32 s31;
	[sflag:s26] =	ssyncset.done @!p3 $0x0  }
0x47: {  	s28 =	rddreg [dreg:$0x1d];
	[sflag:s26] =	ssyncadd.s32 @!p3 $0xFFFFFB80;
	s26 =	simm.s32 @!p3 $0x10000  }
0x48: {  	[hbm4b:s28+s22] =	stream.linear.scatter @!p3 [tilespmem:s26], [sflag:$0x9], $0x480, $0x38;
	[tilespmem:$0x18080] =	vst v63  }
0x49: {  	s31 =	smov.u32 s16;
	s18 =	smov.u32 s1;
	_ =	swait.ge @!p3 [sflag:s25], $0x480  }
0x4a: {  	s16 =	simm.s32 $0x8000;
	s1 =	simm.s32 $0x80;
	[sflag:s25] =	ssyncset.done @!p3 $0x0  }
0x4b: {  	s26 =	simm.s32 $0x4000;
	s28 =	simm.s32 $0xE000;
	[sflag:s25] =	ssyncadd.s32 @!p3 $0xFFFFFB80  }
.LBB2_6:
0x4c: {  	s21 =	sadd.s32 $0x1, s21  }
0x4d: {  	p5 =	sne.s32 s21, s24  }
.Ltmp1:
0x4e: {  	s22 =	simm.s32 $0x14000;
	(pc) =	sbr.rel @!p5 .LBB2_7-.Ltmp1, $4  }
0x4f: {  	[hbm4b:s19+s1] =	stream.strided.scatter [tilespmem:s22], [sflag:$0x9], $0x4000, s14, s1, $0x38;
	[tilespmem:$0x18080] =	vst v63  }
0x50: {  	_ =	swait.ge [sflag:s20], $0x4000  }
0x51: {  	[sflag:s20] =	ssyncset.done $0x0  }
0x52: {  	[sflag:s20] =	ssyncadd.s32 $0xFFFFC000  }
.LBB2_1:
0x53: {  	s22 =	simm.s32 $0x40;
	s25 =	simm.s32 $0x0  }
.LBB2_2:
0x54: {  	p5 =	sne.s32 s22, $0x10000;
	[tilespmem:s25+$0x14000] =	vst v0;
	s25 =	smov.u32 s22;
	s22 =	sadd.s32 $0x40, s22  }
.Ltmp2:
0x55: {  	(pc) =	sbr.rel @p5 .LBB2_2-.Ltmp2, $2  }
0x56: {  	_ =	sdelay $0x2  }
0x57: {  	s25 =	sshra.s32 s25, $0x2  }
.Ltmp3:
0x58: {  	(pc) =	sbr.rel @p1 .LBB2_6-.Ltmp3, $2  }
0x59: {  	_ =	sdelay $0x2  }
0x5a: {  	[tilespmem:s25+$0x14000] =	vst v0  }
0x5b: {  	s1 =	rddreg [dreg:$0xe]  }
0x5c: {  	s14 =	rddreg [dreg:$0xf]  }
0x5d: {  	[tilespmem:s3], [sflag:$0x1] =	stream.linear.gather [hbm4b:s1+s3], $0x2000, $0x38;
	[tilespmem:$0x18080] =	vst v63  }
0x5e: {  	s22 =	rddreg [dreg:$0x10]  }
0x5f: {  	[tilespmem:s26], [sflag:$0x3] =	stream.linear.gather [hbm4b:s14+s3], $0x2000, $0x38;
	[tilespmem:$0x18080] =	vst v63  }
0x60: {  	s25 =	sld [smem:$0x7F9]  }
0x61: {  	[tilespmem:s16], [sflag:$0x3] =	stream.linear.gather [hbm4b:s22+s3], $0x2000, $0x38;
	[tilespmem:$0x18080] =	vst v63  }
0x62: {  	s14 =	sld [smem:$0x7FA]  }
0x63: {  	[tilespmem:s0], [sflag:$0x2] =	stream.linear.gather [hbm4b:s25+s3], $0x2000, $0x38;
	[tilespmem:$0x18080] =	vst v63  }
0x64: {  	s22 =	sld [smem:$0x7FB]  }
0x65: {  	[tilespmem:s4], [sflag:$0x4] =	stream.linear.gather [hbm4b:s14+s3], $0x2000, $0x38;
	[tilespmem:$0x18080] =	vst v63  }
0x66: {  	_ = 	snop  }
0x67: {  	[tilespmem:s7], [sflag:$0x4] =	stream.linear.gather [hbm4b:s22+s3], $0x2000, $0x38;
	[tilespmem:$0x18080] =	vst v63  }
0x68: {  	_ =	swait.ge [sflag:s17], $0x2000  }
0x69: {  	[sflag:s17] =	ssyncset.done $0x0  }
0x6a: {  	[sflag:s17] =	ssyncadd.s32 $0xFFFFE000  }
0x6b: {  	[tilespmem:s10], [sflag:$0x5] =	stream.indirect.gather [hbm4b:s2+s0], $0x1, s3, s0, $0xb8;
	[tilespmem:$0x18080] =	vst v63  }
0x6c: {  	_ =	swait.ge [sflag:s29], $0x2000  }
0x6d: {  	[sflag:s29] =	ssyncset.done $0x0  }
0x6e: {  	[sflag:s29] =	ssyncadd.s32 $0xFFFFE000  }
0x6f: {  	[tilespmem:s28], [sflag:$0x6] =	stream.indirect.gather [hbm4b:s2+s0], $0x1, s0, s0, $0xb8;
	[tilespmem:$0x18080] =	vst v63  }
0x70: {  	_ =	swait.ge [sflag:s5], $0x2000  }
0x71: {  	[sflag:s5] =	ssyncset.done $0x0  }
0x72: {  	[sflag:s5] =	ssyncadd.s32 $0xFFFFE000  }
0x73: {  	_ =	swait.ge [sflag:s6], $0x2000  }
0x74: {  	[sflag:s6] =	ssyncset.done $0x0  }
0x75: {  	[sflag:s6] =	ssyncadd.s32 $0xFFFFE000  }
0x76: {  	_ =	swait.ge [sflag:s6], $0x2000  }
0x77: {  	[sflag:s6] =	ssyncset.done $0x0  }
0x78: {  	s25 =	rddreg [dreg:$0x11];
	[sflag:s6] =	ssyncadd.s32 $0xFFFFE000  }
0x79: {  	[hbm4b:s25+s3] =	stream.linear.scatter [tilespmem:s13], [sflag:$0x7], $0x2000, $0x38;
	[tilespmem:$0x18080] =	vst v63  }
0x7a: {  	_ = 	snop  }
0x7b: {  	[tilespmem:s3], [sflag:$0x1] =	stream.linear.gather [hbm4b:s15+s3], $0x2000, $0x38;
	[tilespmem:$0x18080] =	vst v63  }
0x7c: {  	_ = 	snop  }
0x7d: {  	[tilespmem:s26], [sflag:$0x3] =	stream.linear.gather [hbm4b:s23+s3], $0x2000, $0x38;
	[tilespmem:$0x18080] =	vst v63  }
0x7e: {  	_ = 	snop  }
0x7f: {  	[tilespmem:s16], [sflag:$0x3] =	stream.linear.gather [hbm4b:s30+s3], $0x2000, $0x38;
	[tilespmem:$0x18080] =	vst v63  }
0x80: {  	_ =	swait.ge [sflag:s17], $0x2000  }
0x81: {  	[sflag:s17] =	ssyncset.done $0x0  }
0x82: {  	[sflag:s17] =	ssyncadd.s32 $0xFFFFE000  }
0x83: {  	[tilespmem:s10], [sflag:$0x5] =	stream.indirect.gather [hbm4b:s2+s0], $0x1, s3, s0, $0xb8;
	[tilespmem:$0x18080] =	vst v63  }
0x84: {  	_ =	swait.ge [sflag:s8], $0x2000  }
0x85: {  	[sflag:s8] =	ssyncset.done $0x0  }
0x86: {  	[sflag:s8] =	ssyncadd.s32 $0xFFFFE000  }
0x87: {  	_ =	swait.ge [sflag:s9], $0x2000  }
0x88: {  	[sflag:s9] =	ssyncset.done $0x0  }
0x89: {  	[sflag:s9] =	ssyncadd.s32 $0xFFFFE000  }
0x8a: {  	_ =	swait.ge [sflag:s9], $0x2000  }
0x8b: {  	[sflag:s9] =	ssyncset.done $0x0  }
0x8c: {  	s16 =	simm.s32 $0x12000;
	s14 =	rddreg [dreg:$0x1e];
	[sflag:s9] =	ssyncadd.s32 $0xFFFFE000  }
0x8d: {  	[hbm4b:s14+s3] =	stream.linear.scatter [tilespmem:s16], [sflag:$0x8], $0x2000, $0x38;
	[tilespmem:$0x18080] =	vst v63  }
0x8e: {  	_ = 	snop  }
0x8f: {  	[tilespmem:s0], [sflag:$0x2] =	stream.linear.gather [hbm4b:s31+s3], $0x2000, $0x38;
	[tilespmem:$0x18080] =	vst v63  }
0x90: {  	_ = 	snop  }
0x91: {  	[tilespmem:s4], [sflag:$0x4] =	stream.linear.gather [hbm4b:s18+s3], $0x2000, $0x38;
	[tilespmem:$0x18080] =	vst v63  }
0x92: {  	s22 =	rddreg [dreg:$0x6]  }
0x93: {  	[tilespmem:s7], [sflag:$0x4] =	stream.linear.gather [hbm4b:s22+s3], $0x2000, $0x38;
	[tilespmem:$0x18080] =	vst v63  }
0x94: {  	_ =	swait.ge [sflag:s29], $0x2000  }
0x95: {  	[sflag:s29] =	ssyncset.done $0x0  }
0x96: {  	[sflag:s29] =	ssyncadd.s32 $0xFFFFE000  }
0x97: {  	[tilespmem:s28], [sflag:$0x6] =	stream.indirect.gather [hbm4b:s2+s0], $0x1, s0, s0, $0xb8;
	[tilespmem:$0x18080] =	vst v63  }
0x98: {  	_ =	swait.ge [sflag:s5], $0x2000  }
0x99: {  	[sflag:s5] =	ssyncset.done $0x0  }
0x9a: {  	[sflag:s5] =	ssyncadd.s32 $0xFFFFE000  }
0x9b: {  	_ =	swait.ge [sflag:s6], $0x2000  }
0x9c: {  	[sflag:s6] =	ssyncset.done $0x0  }
0x9d: {  	[sflag:s6] =	ssyncadd.s32 $0xFFFFE000  }
0x9e: {  	_ =	swait.ge [sflag:s6], $0x2000  }
0x9f: {  	[sflag:s6] =	ssyncset.done $0x0  }
0xa0: {  	[sflag:s6] =	ssyncadd.s32 $0xFFFFE000  }
0xa1: {  	_ =	swait.ge [sflag:s11], $0x2000  }
0xa2: {  	[sflag:s11] =	ssyncset.done $0x0  }
0xa3: {  	s25 =	rddreg [dreg:$0x1f];
	[sflag:s11] =	ssyncadd.s32 $0xFFFFE000  }
0xa4: {  	[hbm4b:s25+s3] =	stream.linear.scatter [tilespmem:s13], [sflag:$0x7], $0x2000, $0x38;
	[tilespmem:$0x18080] =	vst v63  }
0xa5: {  	s22 =	simm.s32 @!p0 $0x0;
	s1 =	rddreg [dreg:$0x7]  }
0xa6: {  	[tilespmem:s22], [sflag:$0x1] =	stream.linear.gather @!p0 [hbm4b:s1+s22], $0x2000, $0x38;
	[tilespmem:$0x18080] =	vst v63  }
0xa7: {  	s25 =	simm.s32 @!p0 $0x4000;
	s1 =	rddreg [dreg:$0x8]  }
0xa8: {  	[tilespmem:s25], [sflag:$0x3] =	stream.linear.gather @!p0 [hbm4b:s1+s22], $0x2000, $0x38;
	[tilespmem:$0x18080] =	vst v63  }
0xa9: {  	s25 =	simm.s32 @!p0 $0x8000;
	s1 =	rddreg [dreg:$0x9]  }
0xaa: {  	[tilespmem:s25], [sflag:$0x3] =	stream.linear.gather @!p0 [hbm4b:s1+s22], $0x2000, $0x38;
	[tilespmem:$0x18080] =	vst v63  }
0xab: {  	s25 =	simm.s32 @!p0 $0x1  }
0xac: {  	_ =	swait.ge @!p0 [sflag:s25], $0x2000  }
0xad: {  	[sflag:s25] =	ssyncset.done @!p0 $0x0  }
0xae: {  	s26 =	simm.s32 @!p0 $0xC000;
	[sflag:s25] =	ssyncadd.s32 @!p0 $0xFFFFE000;
	s25 =	simm.s32 @!p0 $0x2000  }
0xaf: {  	[tilespmem:s26], [sflag:$0x5] =	stream.indirect.gather @!p0 [hbm4b:s2+s25], $0x1, s22, s25, $0xb8;
	[tilespmem:$0x18080] =	vst v63  }
0xb0: {  	_ =	swait.ge [sflag:s8], $0x2000  }
0xb1: {  	[sflag:s8] =	ssyncset.done $0x0  }
0xb2: {  	[sflag:s8] =	ssyncadd.s32 $0xFFFFE000  }
0xb3: {  	_ =	swait.ge [sflag:s9], $0x2000  }
0xb4: {  	[sflag:s9] =	ssyncset.done $0x0  }
0xb5: {  	[sflag:s9] =	ssyncadd.s32 $0xFFFFE000  }
0xb6: {  	_ =	swait.ge [sflag:s9], $0x2000  }
0xb7: {  	[sflag:s9] =	ssyncset.done $0x0  }
0xb8: {  	s10 =	simm.s32 $0xA000;
	[sflag:s9] =	ssyncadd.s32 $0xFFFFE000  }
.Ltmp4:
0xb9: {  	s14 =	simm.s32 $0x10000;
	_ =	swait.ge [sflag:s12], $0x2000;
	(pc) =	sbr.rel @!p2 .LBB2_5-.Ltmp4, $4  }
0xba: {  	s16 =	simm.s32 $0x4000;
	s4 =	simm.s32 $0x8000;
	s26 =	sld [smem:$0x7FC]  }
0xbb: {  	s7 =	simm.s32 $0x6000;
	s28 =	simm.s32 $0xC000;
	[sflag:s12] =	ssyncset.done $0x0  }
0xbc: {  	s13 =	simm.s32 $0xE000;
	s22 =	simm.s32 $0x12000;
	[sflag:s12] =	ssyncadd.s32 $0xFFFFE000  }
0xbd: {  	[hbm4b:s26+s3] =	stream.linear.scatter [tilespmem:s22], [sflag:$0x8], $0x2000, $0x38;
	[tilespmem:$0x18080] =	vst v63  }
0xbe: {  	s1 =	rddreg [dreg:$0xa]  }
0xbf: {  	[tilespmem:s0], [sflag:$0x2] =	stream.linear.gather [hbm4b:s1+s3], $0x2000, $0x38;
	[tilespmem:$0x18080] =	vst v63  }
0xc0: {  	s26 =	rddreg [dreg:$0xb]  }
0xc1: {  	[tilespmem:s7], [sflag:$0x4] =	stream.linear.gather [hbm4b:s26+s3], $0x2000, $0x38;
	[tilespmem:$0x18080] =	vst v63  }
0xc2: {  	s25 =	rddreg [dreg:$0xc]  }
0xc3: {  	[tilespmem:s10], [sflag:$0x4] =	stream.linear.gather [hbm4b:s25+s3], $0x2000, $0x38;
	[tilespmem:$0x18080] =	vst v63  }
0xc4: {  	_ =	swait.ge [sflag:s29], $0x2000  }
0xc5: {  	[sflag:s29] =	ssyncset.done $0x0  }
0xc6: {  	[sflag:s29] =	ssyncadd.s32 $0xFFFFE000  }
0xc7: {  	[tilespmem:s13], [sflag:$0x6] =	stream.indirect.gather [hbm4b:s2+s0], $0x1, s0, s0, $0xb8;
	[tilespmem:$0x18080] =	vst v63  }
0xc8: {  	_ =	swait.ge [sflag:s5], $0x2000  }
0xc9: {  	[sflag:s5] =	ssyncset.done $0x0  }
0xca: {  	[sflag:s5] =	ssyncadd.s32 $0xFFFFE000  }
0xcb: {  	_ =	swait.ge [sflag:s6], $0x2000  }
0xcc: {  	[sflag:s6] =	ssyncset.done $0x0  }
0xcd: {  	[sflag:s6] =	ssyncadd.s32 $0xFFFFE000  }
0xce: {  	_ =	swait.ge [sflag:s6], $0x2000  }
0xcf: {  	[sflag:s6] =	ssyncset.done $0x0  }
0xd0: {  	[sflag:s6] =	ssyncadd.s32 $0xFFFFE000  }
0xd1: {  	_ =	swait.ge [sflag:s11], $0x2000  }
0xd2: {  	s26 =	sld [smem:$0x7FD]  }
0xd3: {  	[sflag:s11] =	ssyncset.done $0x0  }
0xd4: {  	[sflag:s11] =	ssyncadd.s32 $0xFFFFE000  }
0xd5: {  	[hbm4b:s26+s3] =	stream.linear.scatter [tilespmem:s14], [sflag:$0x7], $0x2000, $0x38;
	[tilespmem:$0x18080] =	vst v63  }
0xd6: {  	s25 =	rddreg [dreg:$0x12]  }
0xd7: {  	[tilespmem:s3], [sflag:$0x1] =	stream.linear.gather [hbm4b:s25+s3], $0x2000, $0x38;
	[tilespmem:$0x18080] =	vst v63  }
0xd8: {  	s26 =	rddreg [dreg:$0x13]  }
0xd9: {  	[tilespmem:s16], [sflag:$0x3] =	stream.linear.gather [hbm4b:s26+s3], $0x2000, $0x38;
	[tilespmem:$0x18080] =	vst v63  }
0xda: {  	s16 =	rddreg [dreg:$0x14]  }
0xdb: {  	[tilespmem:s4], [sflag:$0x3] =	stream.linear.gather [hbm4b:s16+s3], $0x2000, $0x38;
	[tilespmem:$0x18080] =	vst v63  }
0xdc: {  	_ =	swait.ge [sflag:s17], $0x2000  }
0xdd: {  	[sflag:s17] =	ssyncset.done $0x0  }
0xde: {  	[sflag:s17] =	ssyncadd.s32 $0xFFFFE000  }
0xdf: {  	[tilespmem:s28], [sflag:$0x5] =	stream.indirect.gather [hbm4b:s2+s0], $0x1, s3, s0, $0xb8;
	[tilespmem:$0x18080] =	vst v63  }
0xe0: {  	_ =	swait.ge [sflag:s8], $0x2000  }
0xe1: {  	[sflag:s8] =	ssyncset.done $0x0  }
0xe2: {  	[sflag:s8] =	ssyncadd.s32 $0xFFFFE000  }
0xe3: {  	_ =	swait.ge [sflag:s9], $0x2000  }
0xe4: {  	[sflag:s9] =	ssyncset.done $0x0  }
0xe5: {  	[sflag:s9] =	ssyncadd.s32 $0xFFFFE000  }
0xe6: {  	_ =	swait.ge [sflag:s9], $0x2000  }
0xe7: {  	[sflag:s9] =	ssyncset.done $0x0  }
0xe8: {  	[sflag:s9] =	ssyncadd.s32 $0xFFFFE000  }
0xe9: {  	_ =	swait.ge [sflag:s12], $0x2000  }
0xea: {  	[sflag:s12] =	ssyncset.done $0x0  }
0xeb: {  	s25 =	rddreg [dreg:$0xd];
	[sflag:s12] =	ssyncadd.s32 $0xFFFFE000  }
0xec: {  	[hbm4b:s25+s3] =	stream.linear.scatter [tilespmem:s22], [sflag:$0x8], $0x2000, $0x38;
	[tilespmem:$0x18080] =	vst v63  }
0xed: {  	s26 =	rddreg [dreg:$0x17]  }
0xee: {  	[tilespmem:s0], [sflag:$0x2] =	stream.linear.gather [hbm4b:s26+s3], $0x2000, $0x38;
	[tilespmem:$0x18080] =	vst v63  }
0xef: {  	s4 =	rddreg [dreg:$0x18]  }
0xf0: {  	[tilespmem:s7], [sflag:$0x4] =	stream.linear.gather [hbm4b:s4+s3], $0x2000, $0x38;
	[tilespmem:$0x18080] =	vst v63  }
0xf1: {  	s16 =	rddreg [dreg:$0x19]  }
0xf2: {  	[tilespmem:s10], [sflag:$0x4] =	stream.linear.gather [hbm4b:s16+s3], $0x2000, $0x38;
	[tilespmem:$0x18080] =	vst v63  }
0xf3: {  	_ =	swait.ge [sflag:s29], $0x2000  }
0xf4: {  	[sflag:s29] =	ssyncset.done $0x0  }
0xf5: {  	[sflag:s29] =	ssyncadd.s32 $0xFFFFE000  }
0xf6: {  	[tilespmem:s13], [sflag:$0x6] =	stream.indirect.gather [hbm4b:s2+s0], $0x1, s0, s0, $0xb8;
	[tilespmem:$0x18080] =	vst v63  }
0xf7: {  	_ =	swait.ge [sflag:s5], $0x2000  }
0xf8: {  	[sflag:s5] =	ssyncset.done $0x0  }
0xf9: {  	[sflag:s5] =	ssyncadd.s32 $0xFFFFE000  }
0xfa: {  	_ =	swait.ge [sflag:s6], $0x2000  }
0xfb: {  	[sflag:s6] =	ssyncset.done $0x0  }
0xfc: {  	[sflag:s6] =	ssyncadd.s32 $0xFFFFE000  }
0xfd: {  	_ =	swait.ge [sflag:s6], $0x2000  }
0xfe: {  	[sflag:s6] =	ssyncset.done $0x0  }
0xff: {  	[sflag:s6] =	ssyncadd.s32 $0xFFFFE000  }
0x100: {  	_ =	swait.ge [sflag:s11], $0x2000  }
0x101: {  	[sflag:s11] =	ssyncset.done $0x0  }
0x102: {  	s25 =	rddreg [dreg:$0x15];
	[sflag:s11] =	ssyncadd.s32 $0xFFFFE000  }
0x103: {  	[hbm4b:s25+s3] =	stream.linear.scatter [tilespmem:s14], [sflag:$0x7], $0x2000, $0x38;
	[tilespmem:$0x18080] =	vst v63  }
0x104: {  	_ =	swait.ge [sflag:s8], $0x2000  }
0x105: {  	[sflag:s8] =	ssyncset.done $0x0  }
0x106: {  	[sflag:s8] =	ssyncadd.s32 $0xFFFFE000  }
0x107: {  	_ =	swait.ge [sflag:s9], $0x2000  }
0x108: {  	[sflag:s9] =	ssyncset.done $0x0  }
0x109: {  	[sflag:s9] =	ssyncadd.s32 $0xFFFFE000  }
0x10a: {  	_ =	swait.ge [sflag:s9], $0x2000  }
0x10b: {  	[sflag:s9] =	ssyncset.done $0x0  }
0x10c: {  	[sflag:s9] =	ssyncadd.s32 $0xFFFFE000  }
0x10d: {  	_ =	swait.ge [sflag:s12], $0x2000  }
0x10e: {  	[sflag:s12] =	ssyncset.done $0x0  }
0x10f: {  	s26 =	rddreg [dreg:$0x16];
	[sflag:s12] =	ssyncadd.s32 $0xFFFFE000  }
0x110: {  	[hbm4b:s26+s3] =	stream.linear.scatter [tilespmem:s22], [sflag:$0x8], $0x2000, $0x38;
	[tilespmem:$0x18080] =	vst v63  }
0x111: {  	_ =	swait.ge [sflag:s11], $0x2000  }
.Ltmp5:
0x112: {  	s1 =	simm.s32 $0x80;
	[sflag:s11] =	ssyncset.done $0x0;
	(pc) =	sbr.rel .LBB2_6-.Ltmp5, $4  }
0x113: {  	s28 =	simm.s32 $0xE000;
	s4 =	simm.s32 $0x6000;
	[sflag:s11] =	ssyncadd.s32 $0xFFFFE000  }
0x114: {  	s7 =	simm.s32 $0xA000;
	s16 =	simm.s32 $0x8000;
	_ =	swait.ge [sflag:s12], $0x2000  }
0x115: {  	s10 =	simm.s32 $0xC000;
	s13 =	simm.s32 $0x10000;
	[sflag:s12] =	ssyncset.done $0x0  }
0x116: {  	s14 =	simm.s32 $0x400;
	s26 =	simm.s32 $0x4000;
	[sflag:s12] =	ssyncadd.s32 $0xFFFFE000  }
.LBB2_7:
0x117: {  	_ =	sfence.sel $0x180000  }
0x118: {  	[bflag:$0x0] =	sbarrier.arrive $0xFFFF  }
0x119: {  	_ =	strace $0x90000047  }
0x11a: {  	s0 =	stileid.u32;
	[bflag:$0x2] =	sbarrier.arrive $0xFFFF  }
0x11b: {  	p0 =	sne.s32 s0, $0x0;
	s0 =	rddreg [dreg:$0x5]  }
0x11c: {  	s0 =	sadd.s32 @!p0 $0x100000, s0  }
0x11d: {  	[sflag:s0] =	ssyncadd.tile.s32 @!p0 $0x1;
	_ =	shalt  }
.Lfunc_end2:
_tile_overlayer_lowered:
.L_overlay_start_2:
0x11e: {  	(tag) =	ssettag $0x2  }
0x11f: {  	s0 =	rddreg [dreg:$0x0];
	s2 =	stileid.u32  }
0x120: {  	s1 =	rddreg [dreg:$0x1];
	p0 =	sne.s32 s2, $0x0  }
0x121: {  	s3 =	rddreg [dreg:$0x2];
	[bflag:$0x3] =	sbarrier.arrive $0xFFFF;
	s2 =	simm.s32 @!p0 $0x1C09  }
0x122: {  	[timem:s3], [sflag:s2] =	dma.local @!p0 [hbm:s0], s1  }
0x123: {  	s0 =	simm.s32 @!p0 $0x9  }
0x124: {  	_ =	swait.ge @!p0 [sflag:s0], s1  }
0x125: {  	s1 =	ssub.s32 @!p0 $0x0, s1;
	[sflag:s0] =	ssyncset.done @!p0 $0x0  }
0x126: {  	[sflag:s0] =	ssyncadd.s32 @!p0 s1  }
0x127: {  	[bflag:$0x3] =	sbarrier.arrive $0xFFFF  }
0x128: {  	_ =	shalt  }

// kernel: kernel.8.cloned.1.call-start
scs
__scs_entry_jumppad:
0x0: {  	(pc) =	sbr.rel $0x88, $3  }
0x1: {  	(tag) =	ssettag $0x0;
	lr =	simm.s32 $0x1  }
0x2: {  	[smem:$0x3F9C] =	sst lr;
	_ =	strace $0xD0000000  }
0x3: {  	_ = 	snop  }
0x4: {  	_ = 	snop  }
0x5: {  	_ = 	snop  }
0x6: {  	_ = 	snop  }
0x7: {  	_ = 	snop  }
__scs_overlays_trampoline_lowered:
0x8: {  	[smem:$0x3FAB] =	sst s0  }
0x9: {  	[smem:$0x3FAC] =	sst s1  }
0xa: {  	[smem:$0x3FAD] =	sst s2  }
0xb: {  	[smem:$0x3FAE] =	sst s3  }
0xc: {  	[smem:$0x3FAF] =	sst s4  }
0xd: {  	[smem:$0x3FB0] =	sst s5  }
0xe: {  	[smem:$0x3FB1] =	sst s6  }
0xf: {  	[smem:$0x3FB2] =	sst s7  }
0x10: {  	[smem:$0x3FB3] =	sst s8  }
0x11: {  	[smem:$0x3FB4] =	sst s9;
	s0 =	simm.s32 @!p0 $0x0  }
0x12: {  	s1 =	sld [smem:$0x3F9A];
	s0 =	simm.s32 @p0 $0x1  }
0x13: {  	[smem:$0x3FB5] =	sst s0;
	s0 =	simm.s32 @!p1 $0x0  }
0x14: {  	s2 =	sld [smem:$0x3F99];
	s0 =	simm.s32 @p1 $0x1  }
0x15: {  	[smem:$0x3FB6] =	sst s0;
	s0 =	simm.s32 @!p2 $0x0  }
0x16: {  	s3 =	sld [smem:$0x3FDB];
	s0 =	simm.s32 @p2 $0x1  }
0x17: {  	s4 =	simm.s32 $0x1BF5;
	[smem:$0x3FB8] =	sst s0  }
0x18: {  	s0 =	sld [smem:$0x3F9B];
	_ =	swait.ge [sflag:s4], $0x0  }
0x19: {  	s7 =	sld [smem:$0x3F9C]  }
0x1a: {  	s8 =	sadd.s32 $0xFFFFE003, lr  }
0x1b: {  	s9 =	sadd.s32 $0xFFFFFEF7, lr;
	s5 =	simm.s32 $0xFFFFFFFF;
	p2 =	slt.u32 s8, $0xFFFFF086  }
0x1c: {  	p1 =	slt.u32 s9, $0xF7A;
	s5 =	simm.s32 @!p2 $0x0  }
0x1d: {  	s5 =	simm.s32 @p1 $0x1;
	p0 =	seq.s32 s7, s2  }
0x1e: {  	s7 =	smul.u32 @!p0 $0xF7A, s2;
	p2 =	seq.s32 @!p0 s5, $0x0  }
0x1f: {  	s9 =	smul.u32 $0xF7A, s1;
	s8 =	simm.s32 @!p0 $0x1BF5;
	p2 =	por !p2, p0  }
0x20: {  	[sflag:s8] =	ssyncset.s32 @!p0 $0xFFFFF086;
	s6 =	sadd.s32 @!p0 s3, s7;
	s7 =	simm.s32 @!p0 $0x108  }
0x21: {  	s3 =	sadd.s32 s3, s9;
	s6 =	sadd.s32 @!p0 $0x88, s6;
	s7 =	simm.s32 @p2 $0x1082  }
0x22: {  	[simem:s7], [sflag:s8] =	dma.local @!p0 [hbm:s6], $0xF7A  }
0x23: {  	s9 =	sor.u32 $0xD0000000, s2;
	s6 =	simm.s32 $0x108;
	_ =	swait.ge @!p0 [sflag:s8], $0x0  }
0x24: {  	s3 =	sadd.s32 $0x88, s3;
	s6 =	simm.s32 @!p1 $0x1082;
	[sflag:s4] =	ssyncset.s32 $0xFFFFF086  }
0x25: {  	[simem:s6], [sflag:s4] =	dma.local [hbm:s3], $0xF7A  }
0x26: {  	[smem:$0x3F9C] =	sst s1;
	(tag) =	ssettag s2;
	_ =	strace s9  }
0x27: {  	s1 =	sld [smem:$0x3FAC]  }
0x28: {  	s2 =	sld [smem:$0x3FAD]  }
0x29: {  	s4 =	sld [smem:$0x3FAF]  }
0x2a: {  	p0 =	seq.s32 s5, $0x0;
	s5 =	sld [smem:$0x3FB0]  }
0x2b: {  	s6 =	sld [smem:$0x3FB1]  }
0x2c: {  	s7 =	sld [smem:$0x3FB2]  }
0x2d: {  	s3 =	simm.s32 $0x108;
	s8 =	sld [smem:$0x3FB3]  }
0x2e: {  	s3 =	simm.s32 @!p0 $0x1082;
	s9 =	sld [smem:$0x3FB4]  }
0x2f: {  	lr =	sadd.s32 s0, s3;
	s0 =	sld [smem:$0x3FAB]  }
0x30: {  	s3 =	sld [smem:$0x3FAE]  }
0x31: {  	[smem:$0x3FB7] =	sst s10  }
0x32: {  	s10 =	sld [smem:$0x3FB5];
	_ =	sdelay $0x3  }
0x33: {  	p0 =	seq.s32 s10, $0x1;
	s10 =	sld [smem:$0x3FB7];
	_ =	sdelay $0x3  }
0x34: {  	[smem:$0x3FB7] =	sst s10  }
0x35: {  	s10 =	sld [smem:$0x3FB6];
	_ =	sdelay $0x3  }
0x36: {  	p1 =	seq.s32 s10, $0x1;
	s10 =	sld [smem:$0x3FB7];
	_ =	sdelay $0x3  }
0x37: {  	[smem:$0x3FB7] =	sst s10  }
0x38: {  	s10 =	sld [smem:$0x3FB8]  }
0x39: {  	_ = 	snop;
	(pc) =	sbr.ind lr, $3  }
0x3a: {  	_ = 	snop  }
0x3b: {  	_ = 	snop  }
0x3c: {  	p2 =	seq.s32 s10, $0x1;
	s10 =	sld [smem:$0x3FB7]  }
0x3d: {  	_ =	shalt  }
0x3e: {  	_ =	shalt  }
0x3f: {  	_ =	shalt  }
0x40: {  	_ =	shalt  }
0x41: {  	_ =	shalt  }
0x42: {  	_ =	shalt  }
0x43: {  	_ =	shalt  }
0x44: {  	_ =	shalt  }
0x45: {  	_ =	shalt  }
0x46: {  	_ =	shalt  }
0x47: {  	_ =	shalt  }
0x48: {  	_ =	shalt  }
0x49: {  	_ =	shalt  }
0x4a: {  	_ =	shalt  }
0x4b: {  	_ =	shalt  }
0x4c: {  	_ =	shalt  }
0x4d: {  	_ =	shalt  }
0x4e: {  	_ =	shalt  }
0x4f: {  	_ =	shalt  }
0x50: {  	_ =	shalt  }
0x51: {  	_ =	shalt  }
0x52: {  	_ =	shalt  }
0x53: {  	_ =	shalt  }
0x54: {  	_ =	shalt  }
0x55: {  	_ =	shalt  }
0x56: {  	_ =	shalt  }
0x57: {  	_ =	shalt  }
0x58: {  	_ =	shalt  }
0x59: {  	_ =	shalt  }
0x5a: {  	_ =	shalt  }
0x5b: {  	_ =	shalt  }
0x5c: {  	_ =	shalt  }
0x5d: {  	_ =	shalt  }
0x5e: {  	_ =	shalt  }
0x5f: {  	_ =	shalt  }
0x60: {  	_ =	shalt  }
0x61: {  	_ =	shalt  }
0x62: {  	_ =	shalt  }
0x63: {  	_ =	shalt  }
0x64: {  	_ =	shalt  }
0x65: {  	_ =	shalt  }
0x66: {  	_ =	shalt  }
0x67: {  	_ =	shalt  }
0x68: {  	_ =	shalt  }
0x69: {  	_ =	shalt  }
0x6a: {  	_ =	shalt  }
0x6b: {  	_ =	shalt  }
0x6c: {  	_ =	shalt  }
0x6d: {  	_ =	shalt  }
0x6e: {  	_ =	shalt  }
0x6f: {  	_ =	shalt  }
0x70: {  	_ =	shalt  }
0x71: {  	_ =	shalt  }
0x72: {  	_ =	shalt  }
0x73: {  	_ =	shalt  }
0x74: {  	_ =	shalt  }
0x75: {  	_ =	shalt  }
0x76: {  	_ =	shalt  }
0x77: {  	_ =	shalt  }
0x78: {  	_ =	shalt  }
0x79: {  	_ =	shalt  }
0x7a: {  	_ =	shalt  }
0x7b: {  	_ =	shalt  }
0x7c: {  	_ =	shalt  }
0x7d: {  	_ =	shalt  }
0x7e: {  	_ =	shalt  }
0x7f: {  	_ =	shalt  }
0x80: {  	_ =	shalt  }
0x81: {  	_ =	shalt  }
0x82: {  	_ =	shalt  }
0x83: {  	_ =	shalt  }
0x84: {  	_ =	shalt  }
0x85: {  	_ =	shalt  }
0x86: {  	_ =	shalt  }
0x87: {  	_ =	shalt  }
.Lfunc_end0:
.L_simem_size_0:
called_computation.1_lowered:
.L_overlay_start_0:
0x88: {  	s2 =	sld [smem:$0x3FD9]  }
0x89: {  	s3 =	sld [smem:$0x3FFE];
	_ =	sdelay $0x1  }
0x8a: {  	s1 =	srdreg.scid  }
0x8b: {  	s0 =	sand.u32 $0x1, s1  }
0x8c: {  	s16 =	sshll.u32 s0, $0xA;
	s2 =	sadd.s32 s3, s2  }
0x8d: {  	s2 =	sadd.s32 s2, s16  }
0x8e: {  	[smem:$0x3FC3] =	sst s2  }
0x8f: {  	_ = 	snop  }
0x90: {  	(tm) =	ssettm $0x1  }
0x91: {  	s17 =	sld [smem:$0x3FFB];
	_ =	sdelay $0x3  }
0x92: {  	_ =	strace s17  }
0x93: {  	s2 =	sld [smem:$0x3FFC];
	_ =	sdelay $0x3  }
0x94: {  	_ =	strace s2  }
0x95: {  	s2 =	sld [smem:$0x3FFD];
	_ =	sdelay $0x3  }
0x96: {  	_ =	strace s2  }
0x97: {  	_ =	strace $0x8FFFFFFF  }
0x98: {  	s18 =	sld [smem:$0x3FDB];
	_ =	sdelay $0x1  }
0x99: {  	s19 =	simm.s32 $_scs_section_size  }
0x9a: {  	s4 =	simm.s32 $_size__tile_overlayer_lowered;
	s5 =	simm.s32 $_tile_overlayer_lowered  }
0x9b: {  	s22 =	simm.s32 $0x1BFF;
	s21 =	sshll.u32 s5, $0x1;
	s2 =	sadd.s32 s19, s18  }
0x9c: {  	s6 =	simm.s32 $0x0;
	s20 =	sshll.u32 s4, $0x1;
	s4 =	sadd.s32 s21, s2  }
0x9d: {  	[timem:s6], [sflag:s22] =	dma.local [hbm:s4], s20  }
0x9e: {  	_ =	swait.ge [sflag:s22], s20  }
0x9f: {  	s3 =	ssub.s32 $0x0, s20;
	[sflag:s22] =	ssyncset.done $0x0  }
0xa0: {  	[sflag:s22] =	ssyncadd.s32 s3;
	_ =	sdelay $0x1  }
0xa1: {  	s23 =	simm.s32 $0x1B8B  }
0xa2: {  	_ =	swait.ge [sflag:s23], $0x1  }
0xa3: {  	[sflag:s23] =	ssyncset.done $0x0  }
0xa4: {  	s25 =	simm.s32 $0x1B8E;
	s24 =	sld [smem:$0x3FFE];
	[sflag:s23] =	ssyncadd.s32 $0xFFFFFFFF  }
0xa5: {  	s26 =	simm.s32 $execute0_lowered;
	[smem:$0x3FD2] =	sst s25  }
0xa6: {  	s4 =	sshll.u32 s26, $0x1;
	_ =	strace $0x80000049;
	[dreg:$0x1] =	wrdreg $0xFFFFFFFF  }
0xa7: {  	s28 =	simm.s32 $_size_execute0_lowered;
	s2 =	sadd.s32 s2, s4;
	[dreg:$0x0] =	wrdreg $0x0  }
0xa8: {  	s4 =	sshll.u32 s28, $0x1;
	[dreg:$0x2] =	wrdreg s2  }
0xa9: {  	[dreg:$0x3] =	wrdreg s4  }
0xaa: {  	[dreg:$0x4] =	wrdreg $0xC0  }
0xab: {  	_ =	task [dreg:s6], $0x5FFFF  }
0xac: {  	[dreg:$0x1] =	wrdreg $0xFFFFFFFF  }
0xad: {  	[dreg:$0x0] =	wrdreg $0x60  }
0xae: {  	[dreg:$0x2] =	wrdreg s24  }
0xaf: {  	[dreg:$0x3] =	wrdreg $0x9  }
0xb0: {  	_ =	task.clear_ibuf [dreg:s6], $0x4FFFF;
	_ =	strace $0x90000049  }
0xb1: {  	s29 =	simm.s32 $0x9;
	_ =	strace $0x8000004B  }
0xb2: {  	_ =	swait.ge [sflag:s29], $0x1  }
0xb3: {  	[sflag:s29] =	ssyncadd.s32 $0xFFFFFFFF  }
0xb4: {  	_ =	strace $0x9000004B  }
0xb5: {  	_ =	sfence  }
0xb6: {  	s30 =	sld [smem:$0x0];
	_ =	sdelay $0x2  }
0xb7: {  	s31 =	sshll.u32 s1, $0xD;
	s1 =	sshrl.u32 s1, $0x2  }
0xb8: {  	s3 =	sand.u32 $0x4000, s31;
	s1 =	sadd.s32 s1, s30  }
0xb9: {  	s0 =	sor.u32 s3, s0;
	s1 =	sshll.u32 s1, $0x11  }
0xba: {  	s0 =	sor.u32 s1, s0  }
0xbb: {  	s0 =	sadd.s32 $0x8F2B, s0  }
0xbc: {  	[sflag:s0] =	ssyncadd.remote.s32 $0x1  }
0xbd: {  	_ =	sfence.sel $0xFFFF  }
0xbe: {  	[dreg:$0x0] =	wrdreg $0xFFFFFFFF;
	(pc) =	sbr.abs _section_cstart, $3  }
0xbf: {  	[dreg:$0x1] =	wrdreg $0xFFFFFFFF  }
0xc0: {  	_ =	task.clear_ibuf [dreg:s6], $0x2FFFF;
	_ =	strace $0x9FFFFFFF  }
0xc1: {  	(tm) =	ssettm $0x7FFFFFFF  }
tec
execute0_lowered:
.L_overlay_start_1:
0x0: {  	(tag) =	ssettag $0x1  }
0x1: {  	s4 =	rddreg [dreg:$0x0]  }
0x2: {  	s0 =	rddreg [dreg:$0x1];
	s3 =	srdreg.scid  }
0x3: {  	s2 =	simm.s32 $0x0;
	s1 =	stileid.u32;
	s9 =	simm.s32 $0x2  }
0x4: {  	s10 =	simm.s32 $0x0;
	s3 =	sand.u32 $0x1, s3;
	[smem:$0x7FF] =	sst s2  }
0x5: {  	s6 =	sshll.u32 s1, $0x9;
	s5 =	sshll.u32 s3, $0xD;
	s31 =	ssub.s32 $0x2, s3  }
0x6: {  	_ =	strace $0x8000004A;
	s5 =	sor.u32 s6, s5;
	s8 =	sshrl.u32 s31, $0x1  }
0x7: {  	s3 =	sadd.s32 $0x1000, s4;
	s7 =	sshrl.u32 s5, $0x3;
	s6 =	ssub.s32 s31, s8  }
0x8: {  	s8 =	simm.s32 $0x4000;
	s7 =	sadd.s32 s7, s4;
	s4 =	sshll.u32 s5, $0x3  }
0x9: {  	s6 =	smax.u32 s6, $0x1;
	s5 =	sadd.s32 $0x4E200, s7;
	s7 =	simm.s32 $0x1  }
.LBB2_1:
0xa: {  	s11 =	simm.s32 $0x0  }
0xb: {  	s12 =	sand.u32 $0xFFFE0000, s11  }
0xc: {  	s13 =	simm.s32 $0x0;
	s11 =	sand.u32 $0x380, s2;
	s12 =	sor.u32 s4, s12  }
0xd: {  	s14 =	sand.u32 $0x3FFFF000, s13;
	s12 =	sor.u32 s11, s12  }
0xe: {  	s13 =	simm.s32 $0x0;
	s15 =	sshrl.u32 s12, $0x3;
	s12 =	simm.s32 $0x1  }
.LBB2_2:
0xf: {  	p0 =	sne.s32 s12, $0x1F;
	s14 =	sor.u32 s11, s14;
	s15 =	sadd.s32 s3, s15  }
0x10: {  	[tilespmem:s14], [sflag:$0x1] =	stream.linear.gather [hbm4b:s15+s2], $0x80, $0x38;
	[tilespmem:$0x4200] =	vst v63  }
0x11: {  	s13 =	sadd.s32 $0x80, s13;
	s17 =	sshll.u32 s12, $0xE  }
0x12: {  	s16 =	sshll.u32 s12, $0x9;
	s11 =	sand.u32 $0x380, s13;
	s17 =	sand.u32 $0xFFFE0000, s17  }
0x13: {  	s18 =	sadd.s32 $0x80, s15;
	s19 =	sor.u32 $0x400, s14;
	s17 =	sor.u32 s4, s17  }
0x14: {  	[tilespmem:s19], [sflag:$0x1] =	stream.linear.gather [hbm4b:s18+s2], $0x80, $0x38;
	[tilespmem:$0x4200] =	vst v63  }
.Ltmp0:
0x15: {  	s18 =	sadd.s32 $0x100, s15;
	s19 =	sor.u32 $0x800, s14;
	(pc) =	sbr.rel @p0 .LBB2_2-.Ltmp0, $4  }
0x16: {  	[tilespmem:s19], [sflag:$0x1] =	stream.linear.gather [hbm4b:s18+s2], $0x80, $0x38;
	[tilespmem:$0x4200] =	vst v63  }
0x17: {  	s17 =	sor.u32 s11, s17;
	s15 =	sadd.s32 $0x180, s15;
	s14 =	sor.u32 $0xC00, s14  }
0x18: {  	[tilespmem:s14], [sflag:$0x1] =	stream.linear.gather [hbm4b:s15+s2], $0x80, $0x38;
	[tilespmem:$0x4200] =	vst v63  }
0x19: {  	s12 =	sadd.s32 $0x1, s12;
	s14 =	sand.u32 $0x3FFFF000, s16;
	s15 =	sshrl.u32 s17, $0x3  }
0x1a: {  	s11 =	sor.u32 s11, s14;
	s12 =	sadd.s32 s3, s15  }
0x1b: {  	[tilespmem:s11], [sflag:$0x1] =	stream.linear.gather [hbm4b:s12+s2], $0x80, $0x38;
	[tilespmem:$0x4200] =	vst v63  }
0x1c: {  	s13 =	sadd.s32 $0x80, s12;
	s14 =	sor.u32 $0x400, s11  }
0x1d: {  	[tilespmem:s14], [sflag:$0x1] =	stream.linear.gather [hbm4b:s13+s2], $0x80, $0x38;
	[tilespmem:$0x4200] =	vst v63  }
0x1e: {  	s30 =	sadd.s32 $0x100, s12;
	s31 =	sor.u32 $0x800, s11  }
0x1f: {  	[tilespmem:s31], [sflag:$0x1] =	stream.linear.gather [hbm4b:s30+s2], $0x80, $0x38;
	[tilespmem:$0x4200] =	vst v63  }
0x20: {  	s12 =	sadd.s32 $0x180, s12;
	s11 =	sor.u32 $0xC00, s11  }
0x21: {  	[tilespmem:s11], [sflag:$0x1] =	stream.linear.gather [hbm4b:s12+s2], $0x80, $0x38;
	[tilespmem:$0x4200] =	vst v63  }
0x22: {  	_ =	swait.ge [sflag:s7], $0x200  }
0x23: {  	[sflag:s7] =	ssyncset.done $0x0  }
0x24: {  	[sflag:s7] =	ssyncadd.s32 $0xFFFFFE00  }
0x25: {  	_ =	swait.ge [sflag:s7], $0x200  }
0x26: {  	[sflag:s7] =	ssyncset.done $0x0  }
0x27: {  	[sflag:s7] =	ssyncadd.s32 $0xFFFFFE00  }
0x28: {  	_ =	swait.ge [sflag:s7], $0x200  }
0x29: {  	[sflag:s7] =	ssyncset.done $0x0  }
0x2a: {  	[sflag:s7] =	ssyncadd.s32 $0xFFFFFE00  }
0x2b: {  	_ =	swait.ge [sflag:s7], $0x200  }
0x2c: {  	[sflag:s7] =	ssyncset.done $0x0  }
0x2d: {  	[sflag:s7] =	ssyncadd.s32 $0xFFFFFE00  }
0x2e: {  	_ =	swait.ge [sflag:s7], $0x200  }
0x2f: {  	[sflag:s7] =	ssyncset.done $0x0  }
0x30: {  	[sflag:s7] =	ssyncadd.s32 $0xFFFFFE00  }
0x31: {  	_ =	swait.ge [sflag:s7], $0x200  }
0x32: {  	[sflag:s7] =	ssyncset.done $0x0  }
0x33: {  	[sflag:s7] =	ssyncadd.s32 $0xFFFFFE00  }
0x34: {  	_ =	swait.ge [sflag:s7], $0x200  }
0x35: {  	[sflag:s7] =	ssyncset.done $0x0  }
0x36: {  	[sflag:s7] =	ssyncadd.s32 $0xFFFFFE00  }
0x37: {  	_ =	swait.ge [sflag:s7], $0x200  }
0x38: {  	[sflag:s7] =	ssyncset.done $0x0  }
0x39: {  	[sflag:s7] =	ssyncadd.s32 $0xFFFFFE00  }
0x3a: {  	_ =	swait.ge [sflag:s7], $0x200  }
0x3b: {  	[sflag:s7] =	ssyncset.done $0x0  }
0x3c: {  	[sflag:s7] =	ssyncadd.s32 $0xFFFFFE00  }
0x3d: {  	_ =	swait.ge [sflag:s7], $0x200  }
0x3e: {  	[sflag:s7] =	ssyncset.done $0x0  }
0x3f: {  	[sflag:s7] =	ssyncadd.s32 $0xFFFFFE00  }
0x40: {  	_ =	swait.ge [sflag:s7], $0x200  }
0x41: {  	[sflag:s7] =	ssyncset.done $0x0  }
0x42: {  	[sflag:s7] =	ssyncadd.s32 $0xFFFFFE00  }
0x43: {  	_ =	swait.ge [sflag:s7], $0x200  }
0x44: {  	[sflag:s7] =	ssyncset.done $0x0  }
0x45: {  	[sflag:s7] =	ssyncadd.s32 $0xFFFFFE00  }
0x46: {  	_ =	swait.ge [sflag:s7], $0x200  }
0x47: {  	[sflag:s7] =	ssyncset.done $0x0  }
0x48: {  	[sflag:s7] =	ssyncadd.s32 $0xFFFFFE00  }
0x49: {  	_ =	swait.ge [sflag:s7], $0x200  }
0x4a: {  	[sflag:s7] =	ssyncset.done $0x0  }
0x4b: {  	[sflag:s7] =	ssyncadd.s32 $0xFFFFFE00  }
0x4c: {  	_ =	swait.ge [sflag:s7], $0x200  }
0x4d: {  	[sflag:s7] =	ssyncset.done $0x0  }
0x4e: {  	[sflag:s7] =	ssyncadd.s32 $0xFFFFFE00  }
0x4f: {  	_ =	swait.ge [sflag:s7], $0x200  }
0x50: {  	[sflag:s7] =	ssyncset.done $0x0  }
0x51: {  	[sflag:s7] =	ssyncadd.s32 $0xFFFFFE00  }
0x52: {  	_ =	swait.ge [sflag:s7], $0x200  }
0x53: {  	[sflag:s7] =	ssyncset.done $0x0  }
0x54: {  	[sflag:s7] =	ssyncadd.s32 $0xFFFFFE00  }
0x55: {  	_ =	swait.ge [sflag:s7], $0x200  }
0x56: {  	[sflag:s7] =	ssyncset.done $0x0  }
0x57: {  	[sflag:s7] =	ssyncadd.s32 $0xFFFFFE00  }
0x58: {  	_ =	swait.ge [sflag:s7], $0x200  }
0x59: {  	[sflag:s7] =	ssyncset.done $0x0  }
0x5a: {  	[sflag:s7] =	ssyncadd.s32 $0xFFFFFE00  }
0x5b: {  	_ =	swait.ge [sflag:s7], $0x200  }
0x5c: {  	[sflag:s7] =	ssyncset.done $0x0  }
0x5d: {  	[sflag:s7] =	ssyncadd.s32 $0xFFFFFE00  }
0x5e: {  	_ =	swait.ge [sflag:s7], $0x200  }
0x5f: {  	[sflag:s7] =	ssyncset.done $0x0  }
0x60: {  	[sflag:s7] =	ssyncadd.s32 $0xFFFFFE00  }
0x61: {  	_ =	swait.ge [sflag:s7], $0x200  }
0x62: {  	[sflag:s7] =	ssyncset.done $0x0  }
0x63: {  	[sflag:s7] =	ssyncadd.s32 $0xFFFFFE00  }
0x64: {  	_ =	swait.ge [sflag:s7], $0x200  }
0x65: {  	[sflag:s7] =	ssyncset.done $0x0  }
0x66: {  	[sflag:s7] =	ssyncadd.s32 $0xFFFFFE00  }
0x67: {  	_ =	swait.ge [sflag:s7], $0x200  }
0x68: {  	[sflag:s7] =	ssyncset.done $0x0  }
0x69: {  	[sflag:s7] =	ssyncadd.s32 $0xFFFFFE00  }
0x6a: {  	_ =	swait.ge [sflag:s7], $0x200  }
0x6b: {  	[sflag:s7] =	ssyncset.done $0x0  }
0x6c: {  	[sflag:s7] =	ssyncadd.s32 $0xFFFFFE00  }
0x6d: {  	_ =	swait.ge [sflag:s7], $0x200  }
0x6e: {  	[sflag:s7] =	ssyncset.done $0x0  }
0x6f: {  	[sflag:s7] =	ssyncadd.s32 $0xFFFFFE00  }
0x70: {  	_ =	swait.ge [sflag:s7], $0x200  }
0x71: {  	[sflag:s7] =	ssyncset.done $0x0  }
0x72: {  	[sflag:s7] =	ssyncadd.s32 $0xFFFFFE00  }
0x73: {  	_ =	swait.ge [sflag:s7], $0x200  }
0x74: {  	[sflag:s7] =	ssyncset.done $0x0  }
0x75: {  	[sflag:s7] =	ssyncadd.s32 $0xFFFFFE00  }
0x76: {  	_ =	swait.ge [sflag:s7], $0x200  }
0x77: {  	[sflag:s7] =	ssyncset.done $0x0  }
0x78: {  	[sflag:s7] =	ssyncadd.s32 $0xFFFFFE00  }
0x79: {  	_ =	swait.ge [sflag:s7], $0x200  }
0x7a: {  	[sflag:s7] =	ssyncset.done $0x0  }
0x7b: {  	[sflag:s7] =	ssyncadd.s32 $0xFFFFFE00  }
0x7c: {  	_ =	swait.ge [sflag:s7], $0x200  }
0x7d: {  	[sflag:s7] =	ssyncset.done $0x0  }
0x7e: {  	[sflag:s7] =	ssyncadd.s32 $0xFFFFFE00  }
0x7f: {  	_ =	swait.ge [sflag:s7], $0x200  }
0x80: {  	[sflag:s7] =	ssyncset.done $0x0  }
0x81: {  	s11 =	simm.s32 $0x0;
	s12 =	simm.s32 $0x0;
	[sflag:s7] =	ssyncadd.s32 $0xFFFFFE00  }
.LBB2_4:
0x82: {  	s13 =	sshll.u32 s12, $0x4  }
0x83: {  	s14 =	sand.u32 $0x70, s13  }
0x84: {  	v0 =	vmov s14  }
0x85: {  	s31 =	sshll.u32 s12, $0x7  }
0x86: {  	s15 =	sand.u32 $0x3000, s11;
	s14 =	sand.u32 $0xC00, s31  }
0x87: {  	s16 =	sand.u32 $0x380, s11;
	s15 =	sor.u32 s15, s14  }
0x88: {  	s16 =	sadd.s32 s16, s15  }
0x89: {  	v2 =	vld.idx.msk [tilespmem:v0+s16+$0x0 ss:$0x1], $0xffff  }
0x8a: {  	v1 =	vimm.f32 $0.0e+00;
	s15 =	simm.s32 $0x200;
	s16 =	simm.s32 $0x80  }
.LBB2_5:
0x8b: {  	s17 =	sand.u32 $0x3000, s15;
	p0 =	sne.s32 s15, $0x3E00;
	s15 =	sadd.s32 $0x200, s15  }
.Ltmp1:
0x8c: {  	s18 =	sand.u32 $0x380, s16;
	s17 =	sor.u32 s17, s14;
	(pc) =	sbr.rel @p0 .LBB2_5-.Ltmp1, $3  }
0x8d: {  	s17 =	sadd.s32 s18, s17  }
0x8e: {  	v1 =	vadd.f32 v2, v1;
	v2 =	vld.idx.msk [tilespmem:v0+s17+$0x0 ss:$0x1], $0xffff;
	_ =	sdelay $0x1  }
0x8f: {  	s16 =	sadd.s32 $0x80, s16  }
0x90: {  	_ =	sdelay $0x1  }
0x91: {  	v0 =	vadd.f32 v2, v1;
	_ =	sdelay $0x1  }
0x92: {  	(erf) = vrcp.f32 v0;
	_ =	sdelay $0x3  }
0x93: {  	s12 =	sadd.s32 $0x1, s12  }
0x94: {  	p0 =	sne.s32 s12, $0x20  }
.Ltmp2:
0x95: {  	_ = 	snop;
	(pc) =	sbr.rel @p0 .LBB2_4-.Ltmp2, $3  }
0x96: {  	_ =	sdelay $0x1  }
0x97: {  	s13 =	sand.u32 $0x3FFFFFF0, s13;
	v0 =	vpop (erf)  }
0x98: {  	[tilespmem:s13+$0x4000] =	vst v0  }
0x99: {  	s10 =	sadd.s32 $0x1, s10  }
0x9a: {  	p0 =	sne.s32 s10, s6  }
.Ltmp3:
0x9b: {  	_ = 	snop;
	(pc) =	sbr.rel @p0 .LBB2_1-.Ltmp3, $4  }
0x9c: {  	[hbm4b:s5+s2] =	stream.linear.scatter [tilespmem:s8], [sflag:$0x2], $0x200, $0x38;
	[tilespmem:$0x4200] =	vst v63  }
0x9d: {  	_ =	swait.ge [sflag:s9], $0x200  }
0x9e: {  	[sflag:s9] =	ssyncset.done $0x0  }
0x9f: {  	[sflag:s9] =	ssyncadd.s32 $0xFFFFFE00  }
0xa0: {  	_ =	sfence.sel $0x180000  }
0xa1: {  	[bflag:$0x0] =	sbarrier.arrive $0xFFFF  }
0xa2: {  	p0 =	sne.s32 s1, $0x0;
	_ =	strace $0x9000004A  }
0xa3: {  	s0 =	sadd.s32 @!p0 $0x100000, s0;
	[bflag:$0x2] =	sbarrier.arrive $0xFFFF  }
0xa4: {  	[sflag:s0] =	ssyncadd.tile.s32 @!p0 $0x1;
	_ =	shalt  }
.Lfunc_end2:
_tile_overlayer_lowered:
.L_overlay_start_2:
0xa5: {  	(tag) =	ssettag $0x2  }
0xa6: {  	s0 =	rddreg [dreg:$0x0];
	s2 =	stileid.u32  }
0xa7: {  	s1 =	rddreg [dreg:$0x1];
	p0 =	sne.s32 s2, $0x0  }
0xa8: {  	s3 =	rddreg [dreg:$0x2];
	[bflag:$0x3] =	sbarrier.arrive $0xFFFF;
	s2 =	simm.s32 @!p0 $0x1C02  }
0xa9: {  	[timem:s3], [sflag:s2] =	dma.local @!p0 [hbm:s0], s1  }
0xaa: {  	s0 =	simm.s32 @!p0 $0x2  }
0xab: {  	_ =	swait.ge @!p0 [sflag:s0], s1  }
0xac: {  	s1 =	ssub.s32 @!p0 $0x0, s1;
	[sflag:s0] =	ssyncset.done @!p0 $0x0  }
0xad: {  	[sflag:s0] =	ssyncadd.s32 @!p0 s1  }
0xae: {  	[bflag:$0x3] =	sbarrier.arrive $0xFFFF  }
0xaf: {  	_ =	shalt  }

</sc_bundles>
